<compile_context>
chip_gen: v7x
topology: tpu7x:2x2x1
jax: 0.10.2.dev20260603
libtpu: 0.0.44.dev20260713+nightly
codegen_flags: <defaults>
</compile_context>

<pallas_src>
import jax
import jax.numpy as jnp
from jax import lax
from jax.experimental import pallas as pl
from jax.experimental.pallas import tpu as pltpu
from jax.experimental.pallas import tpu_sc as plsc

N = 2_000_000
OUT_SIZE = 1_000_000
ROWS = N // 128
MROWS = ROWS // 5
CHUNK = 8192
FULL_CHUNKS = N // CHUNK
TAIL = N - FULL_CHUNKS * CHUNK
NUM_TILES = 32
ACC_SIZE = 1 << 20
STRIPE = ACC_SIZE // 16
ZBUF = 8192
MAX_ITERS = 5



def _mask_body(t_ref, rt_ref, st_ref, en_ref, o_ref):
    t = t_ref[0, 0]
    m = (st_ref[...] <= t) & (t < en_ref[...])
    o_ref[...] = jnp.where(m, rt_ref[...], jnp.float32(0.0))


def _masked_rate(t2d, rate2d, st2d, en2d):
    return pl.pallas_call(
        _mask_body,
        out_shape=jax.ShapeDtypeStruct((ROWS, 128), jnp.float32),
    )(t2d, rate2d, st2d, en2d)



def _sc_body(idx_hbm, mr_hbm, out_hbm,
             idx0, mr0, idx1, mr1, zbuf,
             sem_in0, sem_in1, sem_sc0, sem_sc1, sem_z, acc):
    cid = lax.axis_index("c")
    sid = lax.axis_index("s")
    wid = sid * 2 + cid
    bufs = ((idx0, mr0, sem_in0, sem_sc0),
            (idx1, mr1, sem_in1, sem_sc1))

    e00 = (wid) * CHUNK
    pltpu.async_copy(idx_hbm.at[pl.ds(e00, CHUNK)], idx0, sem_in0)
    pltpu.async_copy(mr_hbm.at[pl.ds(e00, CHUNK)], mr0, sem_in0)

    def zero_body(i, carry):
        zbuf[pl.ds(i * 16, 16)] = jnp.zeros((16,), jnp.float32)
        return carry
    lax.fori_loop(0, ZBUF // 16, zero_body, 0)
    for z in range(STRIPE // ZBUF):
        pltpu.async_copy(zbuf, acc.at[pl.ds(sid * STRIPE + z * ZBUF, ZBUF)], sem_z)
    for z in range(STRIPE // ZBUF):
        pltpu.make_async_copy(zbuf, acc.at[pl.ds(sid * STRIPE + z * ZBUF, ZBUF)], sem_z).wait()

    plsc.subcore_barrier()

    nch = (FULL_CHUNKS - 1 - wid) // NUM_TILES + 1

    def base_of(jj):
        return (wid + jj * NUM_TILES) * CHUNK

    def start_in(slot, jj):
        idxb, mrb, s_in, _ = bufs[slot]
        e0 = base_of(jj)
        pltpu.async_copy(idx_hbm.at[pl.ds(e0, CHUNK)], idxb, s_in)
        pltpu.async_copy(mr_hbm.at[pl.ds(e0, CHUNK)], mrb, s_in)

    def wait_in(slot, jj):
        idxb, mrb, s_in, _ = bufs[slot]
        e0 = base_of(jj)
        pltpu.make_async_copy(idx_hbm.at[pl.ds(e0, CHUNK)], idxb, s_in).wait()
        pltpu.make_async_copy(mr_hbm.at[pl.ds(e0, CHUNK)], mrb, s_in).wait()

    def fire_sc(slot):
        idxb, mrb, _, s_sc = bufs[slot]
        pltpu.async_copy(mrb, acc.at[idxb], s_sc, add=True)

    def drain_sc(slot):
        idxb, mrb, _, s_sc = bufs[slot]
        pltpu.make_async_copy(mrb, acc.at[idxb], s_sc).wait()

    def iter_body(jj2, carry):
        for b in (0, 1):
            jj = jj2 * 2 + b
            o = 1 - b

            @pl.when(jj < nch)
            def _proc(jj=jj, b=b):
                wait_in(b, jj)
                fire_sc(b)

            @pl.when((jj >= 1) & (jj <= nch))
            def _drain(o=o):
                drain_sc(o)

            @pl.when(jj + 1 < nch)
            def _pre(jj=jj, o=o):
                start_in(o, jj + 1)
        return carry
    lax.fori_loop(0, MAX_ITERS, iter_body, 0)

    @pl.when(wid == 16)
    def _tail():
        idxb, mrb, _, _ = bufs[0]
        e0 = FULL_CHUNKS * CHUNK
        pltpu.sync_copy(idx_hbm.at[pl.ds(e0, TAIL)], idxb.at[pl.ds(0, TAIL)])
        pltpu.sync_copy(mr_hbm.at[pl.ds(e0, TAIL)], mrb.at[pl.ds(0, TAIL)])
        pltpu.sync_copy(mrb.at[pl.ds(0, TAIL)],
                        acc.at[idxb.at[pl.ds(0, TAIL)]], add=True)

    plsc.subcore_barrier()

    pltpu.sync_copy(acc.at[pl.ds(sid * STRIPE, STRIPE)],
                    out_hbm.at[cid, pl.ds(sid * STRIPE, STRIPE)])


_sc_call = pl.kernel(
    _sc_body,
    mesh=plsc.VectorSubcoreMesh(core_axis_name="c", subcore_axis_name="s"),
    out_type=jax.ShapeDtypeStruct((2, ACC_SIZE), jnp.float32),
    scratch_types=[
        pltpu.VMEM((CHUNK,), jnp.int32),
        pltpu.VMEM((CHUNK,), jnp.float32),
        pltpu.VMEM((CHUNK,), jnp.int32),
        pltpu.VMEM((CHUNK,), jnp.float32),
        pltpu.VMEM((ZBUF,), jnp.float32),
        pltpu.SemaphoreType.DMA,
        pltpu.SemaphoreType.DMA,
        pltpu.SemaphoreType.DMA,
        pltpu.SemaphoreType.DMA,
        pltpu.SemaphoreType.DMA,
        pltpu.VMEM_SHARED((ACC_SIZE,), jnp.float32),
    ],
)



def _combine_body(p_ref, o_ref):
    o_ref[...] = p_ref[0] + p_ref[1]


def _combine(partials):
    p3 = partials.reshape(2, 1024, 1024)
    out = pl.pallas_call(
        _combine_body,
        out_shape=jax.ShapeDtypeStruct((1024, 1024), jnp.float32),
    )(p3)
    return out.reshape(ACC_SIZE)[:OUT_SIZE]


def kernel(index, rate, starttime, endtime, t):
    t2d = t.astype(jnp.float32).reshape(1, 1)
    mr = _masked_rate(t2d,
                      rate.reshape(ROWS, 128),
                      starttime.reshape(ROWS, 128),
                      endtime.reshape(ROWS, 128)).reshape(N)
    partials = _sc_call(index, mr)
    return _combine(partials)

# --- scband reference (transcript-rebuilt; emitter-appended) ---
"""Pipeline reference for scband-inpatient-input-6253472383897 (READ-ONLY COPY).

The authoritative reference and input builder live on the scoring server;
editing this copy changes nothing except your own understanding.
"""

import jax, jax.numpy as jnp
import numpy as np

N = 2000000
SIZE = 1000000

def setup_inputs(seed: int = 0) -> dict:
    key = jax.random.key(seed)
    k1, k2, k3, k4, k5 = jax.random.split(key, 5)
    index = jax.random.randint(k1, (N,), 0, SIZE, dtype=jnp.int32)
    rate = jax.random.normal(k2, (N,), dtype=jnp.float32)
    starttime = jax.random.uniform(k3, (N,), dtype=jnp.float32)
    endtime = jax.random.uniform(k4, (N,), dtype=jnp.float32)
    t = jax.random.uniform(k5, (), dtype=jnp.float32)
    return {"index": index, "rate": rate, "starttime": starttime, "endtime": endtime, "t": t}

def reference(index, rate, starttime, endtime, t):
    # Faithful translation of InpatientInput.__call__ (jnp branch):
    # mask events active at time t, zero-out inactive, scatter-add rates into code vector.
    mask = (starttime <= t) & (t < endtime)
    idx = jnp.where(mask, index, 0)
    r = jnp.where(mask, rate, jnp.float32(0.0))
    adm_input = jnp.zeros(SIZE, dtype=r.dtype)
    return adm_input.at[idx].add(r)

if __name__ == "__main__":
    import jax
    _d = setup_inputs()
    print(jax.jit(kernel)(*tuple(_d.values())))

</pallas_src>

<mosaic_0001>
#map = affine_map<(d0, d1) -> (0)>
#map1 = affine_map<(d0, d1) -> (0, 0)>
module attributes {stable_mosaic.version = 14 : i64} {
  func.func @_sc_body(%arg0: i32, %arg1: i32, %arg2: memref<2000000xi32, #tpu.memory_space<hbm>>, %arg3: memref<2000000xf32, #tpu.memory_space<hbm>>, %arg4: memref<2x1048576xf32, #tpu.memory_space<hbm>>, %arg5: memref<8192xi32, #tpu.memory_space<vmem>>, %arg6: memref<8192xf32, #tpu.memory_space<vmem>>, %arg7: memref<8192xi32, #tpu.memory_space<vmem>>, %arg8: memref<8192xf32, #tpu.memory_space<vmem>>, %arg9: memref<8192xf32, #tpu.memory_space<vmem>>, %arg10: memref<!tpu.dma_semaphore, #tpu.memory_space<semaphore_mem>>, %arg11: memref<!tpu.dma_semaphore, #tpu.memory_space<semaphore_mem>>, %arg12: memref<!tpu.dma_semaphore, #tpu.memory_space<semaphore_mem>>, %arg13: memref<!tpu.dma_semaphore, #tpu.memory_space<semaphore_mem>>, %arg14: memref<!tpu.dma_semaphore, #tpu.memory_space<semaphore_mem>>, %arg15: memref<1048576xf32, #tpu.memory_space<vmem_shared>>) attributes {dimension_semantics = [#tpu.dimension_semantics<core_parallel>, #tpu.dimension_semantics<subcore_parallel>], iteration_bounds = array<i64: 2, 16>, scalar_prefetch = 0 : i64, scratch_operands = 11 : i64, tpu.core_type = #tpu.core_type<sc_vector_subcore>, window_params = [{transform_indices = #map}, {transform_indices = #map}, {transform_indices = #map1}]} {
    %mul3A = arith.constant 2 : i32
    %mul3A_0 = arith.muli %arg1, %mul3A : i32
    %add3A = arith.addi %mul3A_0, %arg0 : i32
    %mul3A_1 = arith.constant 8192 : i32
    %mul3A_2 = arith.muli %add3A, %mul3A_1 : i32
    %dma_start3A = tpu.memref_slice %arg2[%mul3A_2] : memref<2000000xi32, #tpu.memory_space<hbm>> -> memref<8192xi32, #tpu.memory_space<hbm>>
    %dma_start3A_3 = tpu.memref_slice %arg2[%mul3A_2] : memref<2000000xi32, #tpu.memory_space<hbm>> -> memref<8192xi32, #tpu.memory_space<hbm>>
    tpu.enqueue_dma source(%dma_start3A_3 : memref<8192xi32, #tpu.memory_space<hbm>>) target(%arg5 : memref<8192xi32, #tpu.memory_space<vmem>>) target_semaphore(%arg10 : memref<!tpu.dma_semaphore, #tpu.memory_space<semaphore_mem>>)
    %dma_start3A_4 = tpu.memref_slice %arg3[%mul3A_2] : memref<2000000xf32, #tpu.memory_space<hbm>> -> memref<8192xf32, #tpu.memory_space<hbm>>
    %dma_start3A_5 = tpu.memref_slice %arg3[%mul3A_2] : memref<2000000xf32, #tpu.memory_space<hbm>> -> memref<8192xf32, #tpu.memory_space<hbm>>
    tpu.enqueue_dma source(%dma_start3A_5 : memref<8192xf32, #tpu.memory_space<hbm>>) target(%arg6 : memref<8192xf32, #tpu.memory_space<vmem>>) target_semaphore(%arg10 : memref<!tpu.dma_semaphore, #tpu.memory_space<semaphore_mem>>)
    %scan3A = arith.constant 0 : i32
    %scan3A_6 = arith.constant 0 : i32
    %scan3A_7 = arith.constant 512 : i32
    %scan3A_8 = arith.addi %scan3A_6, %scan3A_7 : i32
    %scan3A_9 = arith.constant 1 : i32
    scf.for %scan3A_139 = %scan3A_6 to %scan3A_8 step %scan3A_9  : i32 {
      %broadcast_in_dim3A = arith.constant 0.000000e+00 : f32
      %broadcast_in_dim3A_140 = vector.broadcast %broadcast_in_dim3A : f32 to vector<16xf32>
      %mul3A_141 = arith.constant 16 : i32
      %mul3A_142 = arith.muli %scan3A_139, %mul3A_141 : i32
      %swap3A = arith.index_cast %mul3A_142 : i32 to index
      %swap3A_143 = tpu.vector_load %arg9[%swap3A] {strides = array<i32>} : memref<8192xf32, #tpu.memory_space<vmem>>, vector<16xf32>,
      %swap3A_144 = vector.shape_cast %swap3A_143 : vector<16xf32> to vector<16xf32>
      %swap3A_145 = vector.shape_cast %broadcast_in_dim3A_140 : vector<16xf32> to vector<16xf32>
      tpu.vector_store %arg9[%swap3A], %swap3A_145 {strides = array<i32>} : memref<8192xf32, #tpu.memory_space<vmem>>, vector<16xf32>,
    }
    %scan3A_10 = arith.constant 512 : i32
    %mul3A_11 = arith.constant 65536 : i32
    %mul3A_12 = arith.muli %arg1, %mul3A_11 : i32
    %add3A_13 = arith.constant 0 : i32
    %add3A_14 = arith.addi %mul3A_12, %add3A_13 : i32
    %dma_start3A_15 = tpu.memref_slice %arg15[%add3A_14] : memref<1048576xf32, #tpu.memory_space<vmem_shared>> -> memref<8192xf32, #tpu.memory_space<vmem_shared>>
    %dma_start3A_16 = tpu.memref_slice %arg15[%add3A_14] : memref<1048576xf32, #tpu.memory_space<vmem_shared>> -> memref<8192xf32, #tpu.memory_space<vmem_shared>>
    tpu.enqueue_dma source(%arg9 : memref<8192xf32, #tpu.memory_space<vmem>>) target(%dma_start3A_16 : memref<8192xf32, #tpu.memory_space<vmem_shared>>) target_semaphore(%arg14 : memref<!tpu.dma_semaphore, #tpu.memory_space<semaphore_mem>>)
    %mul3A_17 = arith.constant 65536 : i32
    %mul3A_18 = arith.muli %arg1, %mul3A_17 : i32
    %add3A_19 = arith.constant 8192 : i32
    %add3A_20 = arith.addi %mul3A_18, %add3A_19 : i32
    %dma_start3A_21 = tpu.memref_slice %arg15[%add3A_20] : memref<1048576xf32, #tpu.memory_space<vmem_shared>> -> memref<8192xf32, #tpu.memory_space<vmem_shared>>
    %dma_start3A_22 = tpu.memref_slice %arg15[%add3A_20] : memref<1048576xf32, #tpu.memory_space<vmem_shared>> -> memref<8192xf32, #tpu.memory_space<vmem_shared>>
    tpu.enqueue_dma source(%arg9 : memref<8192xf32, #tpu.memory_space<vmem>>) target(%dma_start3A_22 : memref<8192xf32, #tpu.memory_space<vmem_shared>>) target_semaphore(%arg14 : memref<!tpu.dma_semaphore, #tpu.memory_space<semaphore_mem>>)
    %mul3A_23 = arith.constant 65536 : i32
    %mul3A_24 = arith.muli %arg1, %mul3A_23 : i32
    %add3A_25 = arith.constant 16384 : i32
    %add3A_26 = arith.addi %mul3A_24, %add3A_25 : i32
    %dma_start3A_27 = tpu.memref_slice %arg15[%add3A_26] : memref<1048576xf32, #tpu.memory_space<vmem_shared>> -> memref<8192xf32, #tpu.memory_space<vmem_shared>>
    %dma_start3A_28 = tpu.memref_slice %arg15[%add3A_26] : memref<1048576xf32, #tpu.memory_space<vmem_shared>> -> memref<8192xf32, #tpu.memory_space<vmem_shared>>
    tpu.enqueue_dma source(%arg9 : memref<8192xf32, #tpu.memory_space<vmem>>) target(%dma_start3A_28 : memref<8192xf32, #tpu.memory_space<vmem_shared>>) target_semaphore(%arg14 : memref<!tpu.dma_semaphore, #tpu.memory_space<semaphore_mem>>)
    %mul3A_29 = arith.constant 65536 : i32
    %mul3A_30 = arith.muli %arg1, %mul3A_29 : i32
    %add3A_31 = arith.constant 24576 : i32
    %add3A_32 = arith.addi %mul3A_30, %add3A_31 : i32
    %dma_start3A_33 = tpu.memref_slice %arg15[%add3A_32] : memref<1048576xf32, #tpu.memory_space<vmem_shared>> -> memref<8192xf32, #tpu.memory_space<vmem_shared>>
    %dma_start3A_34 = tpu.memref_slice %arg15[%add3A_32] : memref<1048576xf32, #tpu.memory_space<vmem_shared>> -> memref<8192xf32, #tpu.memory_space<vmem_shared>>
    tpu.enqueue_dma source(%arg9 : memref<8192xf32, #tpu.memory_space<vmem>>) target(%dma_start3A_34 : memref<8192xf32, #tpu.memory_space<vmem_shared>>) target_semaphore(%arg14 : memref<!tpu.dma_semaphore, #tpu.memory_space<semaphore_mem>>)
    %mul3A_35 = arith.constant 65536 : i32
    %mul3A_36 = arith.muli %arg1, %mul3A_35 : i32
    %add3A_37 = arith.constant 32768 : i32
    %add3A_38 = arith.addi %mul3A_36, %add3A_37 : i32
    %dma_start3A_39 = tpu.memref_slice %arg15[%add3A_38] : memref<1048576xf32, #tpu.memory_space<vmem_shared>> -> memref<8192xf32, #tpu.memory_space<vmem_shared>>
    %dma_start3A_40 = tpu.memref_slice %arg15[%add3A_38] : memref<1048576xf32, #tpu.memory_space<vmem_shared>> -> memref<8192xf32, #tpu.memory_space<vmem_shared>>
    tpu.enqueue_dma source(%arg9 : memref<8192xf32, #tpu.memory_space<vmem>>) target(%dma_start3A_40 : memref<8192xf32, #tpu.memory_space<vmem_shared>>) target_semaphore(%arg14 : memref<!tpu.dma_semaphore, #tpu.memory_space<semaphore_mem>>)
    %mul3A_41 = arith.constant 65536 : i32
    %mul3A_42 = arith.muli %arg1, %mul3A_41 : i32
    %add3A_43 = arith.constant 40960 : i32
    %add3A_44 = arith.addi %mul3A_42, %add3A_43 : i32
    %dma_start3A_45 = tpu.memref_slice %arg15[%add3A_44] : memref<1048576xf32, #tpu.memory_space<vmem_shared>> -> memref<8192xf32, #tpu.memory_space<vmem_shared>>
    %dma_start3A_46 = tpu.memref_slice %arg15[%add3A_44] : memref<1048576xf32, #tpu.memory_space<vmem_shared>> -> memref<8192xf32, #tpu.memory_space<vmem_shared>>
    tpu.enqueue_dma source(%arg9 : memref<8192xf32, #tpu.memory_space<vmem>>) target(%dma_start3A_46 : memref<8192xf32, #tpu.memory_space<vmem_shared>>) target_semaphore(%arg14 : memref<!tpu.dma_semaphore, #tpu.memory_space<semaphore_mem>>)
    %mul3A_47 = arith.constant 65536 : i32
    %mul3A_48 = arith.muli %arg1, %mul3A_47 : i32
    %add3A_49 = arith.constant 49152 : i32
    %add3A_50 = arith.addi %mul3A_48, %add3A_49 : i32
    %dma_start3A_51 = tpu.memref_slice %arg15[%add3A_50] : memref<1048576xf32, #tpu.memory_space<vmem_shared>> -> memref<8192xf32, #tpu.memory_space<vmem_shared>>
    %dma_start3A_52 = tpu.memref_slice %arg15[%add3A_50] : memref<1048576xf32, #tpu.memory_space<vmem_shared>> -> memref<8192xf32, #tpu.memory_space<vmem_shared>>
    tpu.enqueue_dma source(%arg9 : memref<8192xf32, #tpu.memory_space<vmem>>) target(%dma_start3A_52 : memref<8192xf32, #tpu.memory_space<vmem_shared>>) target_semaphore(%arg14 : memref<!tpu.dma_semaphore, #tpu.memory_space<semaphore_mem>>)
    %mul3A_53 = arith.constant 65536 : i32
    %mul3A_54 = arith.muli %arg1, %mul3A_53 : i32
    %add3A_55 = arith.constant 57344 : i32
    %add3A_56 = arith.addi %mul3A_54, %add3A_55 : i32
    %dma_start3A_57 = tpu.memref_slice %arg15[%add3A_56] : memref<1048576xf32, #tpu.memory_space<vmem_shared>> -> memref<8192xf32, #tpu.memory_space<vmem_shared>>
    %dma_start3A_58 = tpu.memref_slice %arg15[%add3A_56] : memref<1048576xf32, #tpu.memory_space<vmem_shared>> -> memref<8192xf32, #tpu.memory_space<vmem_shared>>
    tpu.enqueue_dma source(%arg9 : memref<8192xf32, #tpu.memory_space<vmem>>) target(%dma_start3A_58 : memref<8192xf32, #tpu.memory_space<vmem_shared>>) target_semaphore(%arg14 : memref<!tpu.dma_semaphore, #tpu.memory_space<semaphore_mem>>)
    %mul3A_59 = arith.constant 65536 : i32
    %mul3A_60 = arith.muli %arg1, %mul3A_59 : i32
    %add3A_61 = arith.constant 0 : i32
    %add3A_62 = arith.addi %mul3A_60, %add3A_61 : i32
    %dma_wait3A = tpu.memref_slice %arg15[%add3A_62] : memref<1048576xf32, #tpu.memory_space<vmem_shared>> -> memref<8192xf32, #tpu.memory_space<vmem_shared>>
    %dma_wait3A_63 = tpu.memref_slice %arg15[%add3A_62] : memref<1048576xf32, #tpu.memory_space<vmem_shared>> -> memref<8192xf32, #tpu.memory_space<vmem_shared>>
    tpu.wait_dma2 semaphore(%arg14 : memref<!tpu.dma_semaphore, #tpu.memory_space<semaphore_mem>>) src(%arg9 : memref<8192xf32, #tpu.memory_space<vmem>>) dst(%dma_wait3A_63 : memref<8192xf32, #tpu.memory_space<vmem_shared>>)
    %mul3A_64 = arith.constant 65536 : i32
    %mul3A_65 = arith.muli %arg1, %mul3A_64 : i32
    %add3A_66 = arith.constant 8192 : i32
    %add3A_67 = arith.addi %mul3A_65, %add3A_66 : i32
    %dma_wait3A_68 = tpu.memref_slice %arg15[%add3A_67] : memref<1048576xf32, #tpu.memory_space<vmem_shared>> -> memref<8192xf32, #tpu.memory_space<vmem_shared>>
    %dma_wait3A_69 = tpu.memref_slice %arg15[%add3A_67] : memref<1048576xf32, #tpu.memory_space<vmem_shared>> -> memref<8192xf32, #tpu.memory_space<vmem_shared>>
    tpu.wait_dma2 semaphore(%arg14 : memref<!tpu.dma_semaphore, #tpu.memory_space<semaphore_mem>>) src(%arg9 : memref<8192xf32, #tpu.memory_space<vmem>>) dst(%dma_wait3A_69 : memref<8192xf32, #tpu.memory_space<vmem_shared>>)
    %mul3A_70 = arith.constant 65536 : i32
    %mul3A_71 = arith.muli %arg1, %mul3A_70 : i32
    %add3A_72 = arith.constant 16384 : i32
    %add3A_73 = arith.addi %mul3A_71, %add3A_72 : i32
    %dma_wait3A_74 = tpu.memref_slice %arg15[%add3A_73] : memref<1048576xf32, #tpu.memory_space<vmem_shared>> -> memref<8192xf32, #tpu.memory_space<vmem_shared>>
    %dma_wait3A_75 = tpu.memref_slice %arg15[%add3A_73] : memref<1048576xf32, #tpu.memory_space<vmem_shared>> -> memref<8192xf32, #tpu.memory_space<vmem_shared>>
    tpu.wait_dma2 semaphore(%arg14 : memref<!tpu.dma_semaphore, #tpu.memory_space<semaphore_mem>>) src(%arg9 : memref<8192xf32, #tpu.memory_space<vmem>>) dst(%dma_wait3A_75 : memref<8192xf32, #tpu.memory_space<vmem_shared>>)
    %mul3A_76 = arith.constant 65536 : i32
    %mul3A_77 = arith.muli %arg1, %mul3A_76 : i32
    %add3A_78 = arith.constant 24576 : i32
    %add3A_79 = arith.addi %mul3A_77, %add3A_78 : i32
    %dma_wait3A_80 = tpu.memref_slice %arg15[%add3A_79] : memref<1048576xf32, #tpu.memory_space<vmem_shared>> -> memref<8192xf32, #tpu.memory_space<vmem_shared>>
    %dma_wait3A_81 = tpu.memref_slice %arg15[%add3A_79] : memref<1048576xf32, #tpu.memory_space<vmem_shared>> -> memref<8192xf32, #tpu.memory_space<vmem_shared>>
    tpu.wait_dma2 semaphore(%arg14 : memref<!tpu.dma_semaphore, #tpu.memory_space<semaphore_mem>>) src(%arg9 : memref<8192xf32, #tpu.memory_space<vmem>>) dst(%dma_wait3A_81 : memref<8192xf32, #tpu.memory_space<vmem_shared>>)
    %mul3A_82 = arith.constant 65536 : i32
    %mul3A_83 = arith.muli %arg1, %mul3A_82 : i32
    %add3A_84 = arith.constant 32768 : i32
    %add3A_85 = arith.addi %mul3A_83, %add3A_84 : i32
    %dma_wait3A_86 = tpu.memref_slice %arg15[%add3A_85] : memref<1048576xf32, #tpu.memory_space<vmem_shared>> -> memref<8192xf32, #tpu.memory_space<vmem_shared>>
    %dma_wait3A_87 = tpu.memref_slice %arg15[%add3A_85] : memref<1048576xf32, #tpu.memory_space<vmem_shared>> -> memref<8192xf32, #tpu.memory_space<vmem_shared>>
    tpu.wait_dma2 semaphore(%arg14 : memref<!tpu.dma_semaphore, #tpu.memory_space<semaphore_mem>>) src(%arg9 : memref<8192xf32, #tpu.memory_space<vmem>>) dst(%dma_wait3A_87 : memref<8192xf32, #tpu.memory_space<vmem_shared>>)
    %mul3A_88 = arith.constant 65536 : i32
    %mul3A_89 = arith.muli %arg1, %mul3A_88 : i32
    %add3A_90 = arith.constant 40960 : i32
    %add3A_91 = arith.addi %mul3A_89, %add3A_90 : i32
    %dma_wait3A_92 = tpu.memref_slice %arg15[%add3A_91] : memref<1048576xf32, #tpu.memory_space<vmem_shared>> -> memref<8192xf32, #tpu.memory_space<vmem_shared>>
    %dma_wait3A_93 = tpu.memref_slice %arg15[%add3A_91] : memref<1048576xf32, #tpu.memory_space<vmem_shared>> -> memref<8192xf32, #tpu.memory_space<vmem_shared>>
    tpu.wait_dma2 semaphore(%arg14 : memref<!tpu.dma_semaphore, #tpu.memory_space<semaphore_mem>>) src(%arg9 : memref<8192xf32, #tpu.memory_space<vmem>>) dst(%dma_wait3A_93 : memref<8192xf32, #tpu.memory_space<vmem_shared>>)
    %mul3A_94 = arith.constant 65536 : i32
    %mul3A_95 = arith.muli %arg1, %mul3A_94 : i32
    %add3A_96 = arith.constant 49152 : i32
    %add3A_97 = arith.addi %mul3A_95, %add3A_96 : i32
    %dma_wait3A_98 = tpu.memref_slice %arg15[%add3A_97] : memref<1048576xf32, #tpu.memory_space<vmem_shared>> -> memref<8192xf32, #tpu.memory_space<vmem_shared>>
    %dma_wait3A_99 = tpu.memref_slice %arg15[%add3A_97] : memref<1048576xf32, #tpu.memory_space<vmem_shared>> -> memref<8192xf32, #tpu.memory_space<vmem_shared>>
    tpu.wait_dma2 semaphore(%arg14 : memref<!tpu.dma_semaphore, #tpu.memory_space<semaphore_mem>>) src(%arg9 : memref<8192xf32, #tpu.memory_space<vmem>>) dst(%dma_wait3A_99 : memref<8192xf32, #tpu.memory_space<vmem_shared>>)
    %mul3A_100 = arith.constant 65536 : i32
    %mul3A_101 = arith.muli %arg1, %mul3A_100 : i32
    %add3A_102 = arith.constant 57344 : i32
    %add3A_103 = arith.addi %mul3A_101, %add3A_102 : i32
    %dma_wait3A_104 = tpu.memref_slice %arg15[%add3A_103] : memref<1048576xf32, #tpu.memory_space<vmem_shared>> -> memref<8192xf32, #tpu.memory_space<vmem_shared>>
    %dma_wait3A_105 = tpu.memref_slice %arg15[%add3A_103] : memref<1048576xf32, #tpu.memory_space<vmem_shared>> -> memref<8192xf32, #tpu.memory_space<vmem_shared>>
    tpu.wait_dma2 semaphore(%arg14 : memref<!tpu.dma_semaphore, #tpu.memory_space<semaphore_mem>>) src(%arg9 : memref<8192xf32, #tpu.memory_space<vmem>>) dst(%dma_wait3A_105 : memref<8192xf32, #tpu.memory_space<vmem_shared>>)
    %barrier3A = arith.constant 0 : index
    tpu.barrier barrier_id(%barrier3A)
    %sub3A = arith.constant 243 : i32
    %sub3A_106 = arith.subi %sub3A, %add3A : i32
    %jit3A = arith.constant 32 : i32
    %div3A = arith.divsi %sub3A_106, %jit3A : i32
    %sign3A = arith.constant 0 : i32
    %sign3A_107 = arith.cmpi sgt, %sub3A_106, %sign3A : i32
    %sign3A_108 = arith.extui %sign3A_107 : i1 to i32
    %sign3A_109 = arith.constant 0 : i32
    %sign3A_110 = arith.cmpi slt, %sub3A_106, %sign3A_109 : i32
    %sign3A_111 = arith.extui %sign3A_110 : i1 to i32
    %sign3A_112 = arith.subi %sign3A_108, %sign3A_111 : i32
    %sign3A_113 = arith.constant 0 : i32
    %sign3A_114 = arith.cmpi sgt, %jit3A, %sign3A_113 : i32
    %sign3A_115 = arith.extui %sign3A_114 : i1 to i32
    %sign3A_116 = arith.constant 0 : i32
    %sign3A_117 = arith.cmpi slt, %jit3A, %sign3A_116 : i32
    %sign3A_118 = arith.extui %sign3A_117 : i1 to i32
    %sign3A_119 = arith.subi %sign3A_115, %sign3A_118 : i32
    %ne3A = arith.cmpi ne, %sign3A_112, %sign3A_119 : i32
    %rem3A = arith.remsi %sub3A_106, %jit3A : i32
    %ne3A_120 = arith.constant 0 : i32
    %ne3A_121 = arith.cmpi ne, %rem3A, %ne3A_120 : i32
    %and3A = arith.andi %ne3A, %ne3A_121 : i1
    %sub3A_122 = arith.constant 1 : i32
    %sub3A_123 = arith.subi %div3A, %sub3A_122 : i32
    %select_n3A = arith.select %and3A, %sub3A_123, %div3A : i32
    %add3A_124 = arith.constant 1 : i32
    %add3A_125 = arith.addi %select_n3A, %add3A_124 : i32
    %scan3A_126 = arith.constant 0 : i32
    %scan3A_127 = arith.constant 0 : i32
    %scan3A_128 = arith.constant 5 : i32
    %scan3A_129 = arith.addi %scan3A_127, %scan3A_128 : i32
    %scan3A_130 = arith.constant 1 : i32
    scf.for %scan3A_139 = %scan3A_127 to %scan3A_129 step %scan3A_130  : i32 {
      %mul3A_140 = arith.constant 2 : i32
      %mul3A_141 = arith.muli %scan3A_139, %mul3A_140 : i32
      %add3A_142 = arith.constant 0 : i32
      %add3A_143 = arith.addi %mul3A_141, %add3A_142 : i32
      %lt3A = arith.cmpi slt, %add3A_143, %add3A_125 : i32
      %convert_element_type3A_144 = arith.extui %lt3A : i1 to i32
      %cond3A_145 = arith.constant 0 : i32
      %cond3A_146 = arith.cmpi ne, %convert_element_type3A_144, %cond3A_145 : i32
      scf.if %cond3A_146 {
        %mul3A_179 = arith.constant 32 : i32
        %mul3A_180 = arith.muli %add3A_143, %mul3A_179 : i32
        %add3A_181 = arith.addi %add3A, %mul3A_180 : i32
        %mul3A_182 = arith.constant 8192 : i32
        %mul3A_183 = arith.muli %add3A_181, %mul3A_182 : i32
        %dma_wait3A_184 = tpu.memref_slice %arg2[%mul3A_183] : memref<2000000xi32, #tpu.memory_space<hbm>> -> memref<8192xi32, #tpu.memory_space<hbm>>
        %dma_wait3A_185 = tpu.memref_slice %arg2[%mul3A_183] : memref<2000000xi32, #tpu.memory_space<hbm>> -> memref<8192xi32, #tpu.memory_space<hbm>>
        tpu.wait_dma2 semaphore(%arg10 : memref<!tpu.dma_semaphore, #tpu.memory_space<semaphore_mem>>) src(%dma_wait3A_185 : memref<8192xi32, #tpu.memory_space<hbm>>) dst(%arg5 : memref<8192xi32, #tpu.memory_space<vmem>>)
        %dma_wait3A_186 = tpu.memref_slice %arg3[%mul3A_183] : memref<2000000xf32, #tpu.memory_space<hbm>> -> memref<8192xf32, #tpu.memory_space<hbm>>
        %dma_wait3A_187 = tpu.memref_slice %arg3[%mul3A_183] : memref<2000000xf32, #tpu.memory_space<hbm>> -> memref<8192xf32, #tpu.memory_space<hbm>>
        tpu.wait_dma2 semaphore(%arg10 : memref<!tpu.dma_semaphore, #tpu.memory_space<semaphore_mem>>) src(%dma_wait3A_187 : memref<8192xf32, #tpu.memory_space<hbm>>) dst(%arg6 : memref<8192xf32, #tpu.memory_space<vmem>>)
        %dma_start3A_188 = arith.constant 0 : i32
        %dma_start3A_189 = tpu.memref_slice %arg15[%dma_start3A_188] : memref<1048576xf32, #tpu.memory_space<vmem_shared>> -> memref<1048576xf32, #tpu.memory_space<vmem_shared>>
        tpu.enqueue_indirect_dma source(%arg6 : memref<8192xf32, #tpu.memory_space<vmem>>) target(%dma_start3A_189 : memref<1048576xf32, #tpu.memory_space<vmem_shared>>) offsets(%arg5 : memref<8192xi32, #tpu.memory_space<vmem>>) semaphore(%arg12 : memref<!tpu.dma_semaphore, #tpu.memory_space<semaphore_mem>>) {add = true}
      } else {
      }
      %ge3A = arith.constant 1 : i32
      %ge3A_147 = arith.cmpi sge, %add3A_143, %ge3A : i32
      %le3A = arith.cmpi sle, %add3A_143, %add3A_125 : i32
      %and3A_148 = arith.andi %ge3A_147, %le3A : i1
      %convert_element_type3A_149 = arith.extui %and3A_148 : i1 to i32
      %cond3A_150 = arith.constant 0 : i32
      %cond3A_151 = arith.cmpi ne, %convert_element_type3A_149, %cond3A_150 : i32
      scf.if %cond3A_151 {
        %dma_wait3A_179 = arith.constant 0 : i32
        %dma_wait3A_180 = tpu.memref_slice %arg15[%dma_wait3A_179] : memref<1048576xf32, #tpu.memory_space<vmem_shared>> -> memref<1048576xf32, #tpu.memory_space<vmem_shared>>
        tpu.wait_indirect_dma semaphore(%arg13 : memref<!tpu.dma_semaphore, #tpu.memory_space<semaphore_mem>>) src(%arg8 : memref<8192xf32, #tpu.memory_space<vmem>>) dst(%dma_wait3A_180 : memref<1048576xf32, #tpu.memory_space<vmem_shared>>)
      } else {
      }
      %add3A_152 = arith.constant 1 : i32
      %add3A_153 = arith.addi %add3A_143, %add3A_152 : i32
      %lt3A_154 = arith.cmpi slt, %add3A_153, %add3A_125 : i32
      %convert_element_type3A_155 = arith.extui %lt3A_154 : i1 to i32
      %cond3A_156 = arith.constant 0 : i32
      %cond3A_157 = arith.cmpi ne, %convert_element_type3A_155, %cond3A_156 : i32
      scf.if %cond3A_157 {
        %add3A_179 = arith.constant 1 : i32
        %add3A_180 = arith.addi %add3A_143, %add3A_179 : i32
        %mul3A_181 = arith.constant 32 : i32
        %mul3A_182 = arith.muli %add3A_180, %mul3A_181 : i32
        %add3A_183 = arith.addi %add3A, %mul3A_182 : i32
        %mul3A_184 = arith.constant 8192 : i32
        %mul3A_185 = arith.muli %add3A_183, %mul3A_184 : i32
        %dma_start3A_186 = tpu.memref_slice %arg2[%mul3A_185] : memref<2000000xi32, #tpu.memory_space<hbm>> -> memref<8192xi32, #tpu.memory_space<hbm>>
        %dma_start3A_187 = tpu.memref_slice %arg2[%mul3A_185] : memref<2000000xi32, #tpu.memory_space<hbm>> -> memref<8192xi32, #tpu.memory_space<hbm>>
        tpu.enqueue_dma source(%dma_start3A_187 : memref<8192xi32, #tpu.memory_space<hbm>>) target(%arg7 : memref<8192xi32, #tpu.memory_space<vmem>>) target_semaphore(%arg11 : memref<!tpu.dma_semaphore, #tpu.memory_space<semaphore_mem>>)
        %dma_start3A_188 = tpu.memref_slice %arg3[%mul3A_185] : memref<2000000xf32, #tpu.memory_space<hbm>> -> memref<8192xf32, #tpu.memory_space<hbm>>
        %dma_start3A_189 = tpu.memref_slice %arg3[%mul3A_185] : memref<2000000xf32, #tpu.memory_space<hbm>> -> memref<8192xf32, #tpu.memory_space<hbm>>
        tpu.enqueue_dma source(%dma_start3A_189 : memref<8192xf32, #tpu.memory_space<hbm>>) target(%arg8 : memref<8192xf32, #tpu.memory_space<vmem>>) target_semaphore(%arg11 : memref<!tpu.dma_semaphore, #tpu.memory_space<semaphore_mem>>)
      } else {
      }
      %mul3A_158 = arith.constant 2 : i32
      %mul3A_159 = arith.muli %scan3A_139, %mul3A_158 : i32
      %add3A_160 = arith.constant 1 : i32
      %add3A_161 = arith.addi %mul3A_159, %add3A_160 : i32
      %lt3A_162 = arith.cmpi slt, %add3A_161, %add3A_125 : i32
      %convert_element_type3A_163 = arith.extui %lt3A_162 : i1 to i32
      %cond3A_164 = arith.constant 0 : i32
      %cond3A_165 = arith.cmpi ne, %convert_element_type3A_163, %cond3A_164 : i32
      scf.if %cond3A_165 {
        %mul3A_179 = arith.constant 32 : i32
        %mul3A_180 = arith.muli %add3A_161, %mul3A_179 : i32
        %add3A_181 = arith.addi %add3A, %mul3A_180 : i32
        %mul3A_182 = arith.constant 8192 : i32
        %mul3A_183 = arith.muli %add3A_181, %mul3A_182 : i32
        %dma_wait3A_184 = tpu.memref_slice %arg2[%mul3A_183] : memref<2000000xi32, #tpu.memory_space<hbm>> -> memref<8192xi32, #tpu.memory_space<hbm>>
        %dma_wait3A_185 = tpu.memref_slice %arg2[%mul3A_183] : memref<2000000xi32, #tpu.memory_space<hbm>> -> memref<8192xi32, #tpu.memory_space<hbm>>
        tpu.wait_dma2 semaphore(%arg11 : memref<!tpu.dma_semaphore, #tpu.memory_space<semaphore_mem>>) src(%dma_wait3A_185 : memref<8192xi32, #tpu.memory_space<hbm>>) dst(%arg7 : memref<8192xi32, #tpu.memory_space<vmem>>)
        %dma_wait3A_186 = tpu.memref_slice %arg3[%mul3A_183] : memref<2000000xf32, #tpu.memory_space<hbm>> -> memref<8192xf32, #tpu.memory_space<hbm>>
        %dma_wait3A_187 = tpu.memref_slice %arg3[%mul3A_183] : memref<2000000xf32, #tpu.memory_space<hbm>> -> memref<8192xf32, #tpu.memory_space<hbm>>
        tpu.wait_dma2 semaphore(%arg11 : memref<!tpu.dma_semaphore, #tpu.memory_space<semaphore_mem>>) src(%dma_wait3A_187 : memref<8192xf32, #tpu.memory_space<hbm>>) dst(%arg8 : memref<8192xf32, #tpu.memory_space<vmem>>)
        %dma_start3A_188 = arith.constant 0 : i32
        %dma_start3A_189 = tpu.memref_slice %arg15[%dma_start3A_188] : memref<1048576xf32, #tpu.memory_space<vmem_shared>> -> memref<1048576xf32, #tpu.memory_space<vmem_shared>>
        tpu.enqueue_indirect_dma source(%arg8 : memref<8192xf32, #tpu.memory_space<vmem>>) target(%dma_start3A_189 : memref<1048576xf32, #tpu.memory_space<vmem_shared>>) offsets(%arg7 : memref<8192xi32, #tpu.memory_space<vmem>>) semaphore(%arg13 : memref<!tpu.dma_semaphore, #tpu.memory_space<semaphore_mem>>) {add = true}
      } else {
      }
      %ge3A_166 = arith.constant 1 : i32
      %ge3A_167 = arith.cmpi sge, %add3A_161, %ge3A_166 : i32
      %le3A_168 = arith.cmpi sle, %add3A_161, %add3A_125 : i32
      %and3A_169 = arith.andi %ge3A_167, %le3A_168 : i1
      %convert_element_type3A_170 = arith.extui %and3A_169 : i1 to i32
      %cond3A_171 = arith.constant 0 : i32
      %cond3A_172 = arith.cmpi ne, %convert_element_type3A_170, %cond3A_171 : i32
      scf.if %cond3A_172 {
        %dma_wait3A_179 = arith.constant 0 : i32
        %dma_wait3A_180 = tpu.memref_slice %arg15[%dma_wait3A_179] : memref<1048576xf32, #tpu.memory_space<vmem_shared>> -> memref<1048576xf32, #tpu.memory_space<vmem_shared>>
        tpu.wait_indirect_dma semaphore(%arg12 : memref<!tpu.dma_semaphore, #tpu.memory_space<semaphore_mem>>) src(%arg6 : memref<8192xf32, #tpu.memory_space<vmem>>) dst(%dma_wait3A_180 : memref<1048576xf32, #tpu.memory_space<vmem_shared>>)
      } else {
      }
      %add3A_173 = arith.constant 1 : i32
      %add3A_174 = arith.addi %add3A_161, %add3A_173 : i32
      %lt3A_175 = arith.cmpi slt, %add3A_174, %add3A_125 : i32
      %convert_element_type3A_176 = arith.extui %lt3A_175 : i1 to i32
      %cond3A_177 = arith.constant 0 : i32
      %cond3A_178 = arith.cmpi ne, %convert_element_type3A_176, %cond3A_177 : i32
      scf.if %cond3A_178 {
        %add3A_179 = arith.constant 1 : i32
        %add3A_180 = arith.addi %add3A_161, %add3A_179 : i32
        %mul3A_181 = arith.constant 32 : i32
        %mul3A_182 = arith.muli %add3A_180, %mul3A_181 : i32
        %add3A_183 = arith.addi %add3A, %mul3A_182 : i32
        %mul3A_184 = arith.constant 8192 : i32
        %mul3A_185 = arith.muli %add3A_183, %mul3A_184 : i32
        %dma_start3A_186 = tpu.memref_slice %arg2[%mul3A_185] : memref<2000000xi32, #tpu.memory_space<hbm>> -> memref<8192xi32, #tpu.memory_space<hbm>>
        %dma_start3A_187 = tpu.memref_slice %arg2[%mul3A_185] : memref<2000000xi32, #tpu.memory_space<hbm>> -> memref<8192xi32, #tpu.memory_space<hbm>>
        tpu.enqueue_dma source(%dma_start3A_187 : memref<8192xi32, #tpu.memory_space<hbm>>) target(%arg5 : memref<8192xi32, #tpu.memory_space<vmem>>) target_semaphore(%arg10 : memref<!tpu.dma_semaphore, #tpu.memory_space<semaphore_mem>>)
        %dma_start3A_188 = tpu.memref_slice %arg3[%mul3A_185] : memref<2000000xf32, #tpu.memory_space<hbm>> -> memref<8192xf32, #tpu.memory_space<hbm>>
        %dma_start3A_189 = tpu.memref_slice %arg3[%mul3A_185] : memref<2000000xf32, #tpu.memory_space<hbm>> -> memref<8192xf32, #tpu.memory_space<hbm>>
        tpu.enqueue_dma source(%dma_start3A_189 : memref<8192xf32, #tpu.memory_space<hbm>>) target(%arg6 : memref<8192xf32, #tpu.memory_space<vmem>>) target_semaphore(%arg10 : memref<!tpu.dma_semaphore, #tpu.memory_space<semaphore_mem>>)
      } else {
      }
    }
    %scan3A_131 = arith.constant 5 : i32
    %eq3A = arith.constant 16 : i32
    %eq3A_132 = arith.cmpi eq, %add3A, %eq3A : i32
    %convert_element_type3A = arith.extui %eq3A_132 : i1 to i32
    %cond3A = arith.constant 0 : i32
    %cond3A_133 = arith.cmpi ne, %convert_element_type3A, %cond3A : i32
    scf.if %cond3A_133 {
      "tpu.region"() ({
        %run_scoped3A = tpu.sem_alloc : memref<!tpu.dma_semaphore, #tpu.memory_space<semaphore_mem>>
        %dma_start3A_139 = arith.constant 0 : i32
        %dma_start3A_140 = tpu.memref_slice %arg5[%dma_start3A_139] : memref<8192xi32, #tpu.memory_space<vmem>> -> memref<1152xi32, #tpu.memory_space<vmem>>
        %dma_start3A_141 = arith.constant 1998848 : i32
        %dma_start3A_142 = tpu.memref_slice %arg2[%dma_start3A_141] : memref<2000000xi32, #tpu.memory_space<hbm>> -> memref<1152xi32, #tpu.memory_space<hbm>>
        %dma_start3A_143 = arith.constant 0 : i32
        %dma_start3A_144 = tpu.memref_slice %arg5[%dma_start3A_143] : memref<8192xi32, #tpu.memory_space<vmem>> -> memref<1152xi32, #tpu.memory_space<vmem>>
        %dma_start3A_145 = arith.constant 1998848 : i32
        %dma_start3A_146 = tpu.memref_slice %arg2[%dma_start3A_145] : memref<2000000xi32, #tpu.memory_space<hbm>> -> memref<1152xi32, #tpu.memory_space<hbm>>
        tpu.enqueue_dma source(%dma_start3A_146 : memref<1152xi32, #tpu.memory_space<hbm>>) target(%dma_start3A_144 : memref<1152xi32, #tpu.memory_space<vmem>>) target_semaphore(%run_scoped3A : memref<!tpu.dma_semaphore, #tpu.memory_space<semaphore_mem>>)
        %dma_wait3A_147 = arith.constant 0 : i32
        %dma_wait3A_148 = tpu.memref_slice %arg5[%dma_wait3A_147] : memref<8192xi32, #tpu.memory_space<vmem>> -> memref<1152xi32, #tpu.memory_space<vmem>>
        %dma_wait3A_149 = arith.constant 1998848 : i32
        %dma_wait3A_150 = tpu.memref_slice %arg2[%dma_wait3A_149] : memref<2000000xi32, #tpu.memory_space<hbm>> -> memref<1152xi32, #tpu.memory_space<hbm>>
        %dma_wait3A_151 = arith.constant 0 : i32
        %dma_wait3A_152 = tpu.memref_slice %arg5[%dma_wait3A_151] : memref<8192xi32, #tpu.memory_space<vmem>> -> memref<1152xi32, #tpu.memory_space<vmem>>
        %dma_wait3A_153 = arith.constant 1998848 : i32
        %dma_wait3A_154 = tpu.memref_slice %arg2[%dma_wait3A_153] : memref<2000000xi32, #tpu.memory_space<hbm>> -> memref<1152xi32, #tpu.memory_space<hbm>>
        tpu.wait_dma2 semaphore(%run_scoped3A : memref<!tpu.dma_semaphore, #tpu.memory_space<semaphore_mem>>) src(%dma_wait3A_154 : memref<1152xi32, #tpu.memory_space<hbm>>) dst(%dma_wait3A_152 : memref<1152xi32, #tpu.memory_space<vmem>>)
        tpu.yield
      }) : () -> ()
      "tpu.region"() ({
        %run_scoped3A = tpu.sem_alloc : memref<!tpu.dma_semaphore, #tpu.memory_space<semaphore_mem>>
        %dma_start3A_139 = arith.constant 0 : i32
        %dma_start3A_140 = tpu.memref_slice %arg6[%dma_start3A_139] : memref<8192xf32, #tpu.memory_space<vmem>> -> memref<1152xf32, #tpu.memory_space<vmem>>
        %dma_start3A_141 = arith.constant 1998848 : i32
        %dma_start3A_142 = tpu.memref_slice %arg3[%dma_start3A_141] : memref<2000000xf32, #tpu.memory_space<hbm>> -> memref<1152xf32, #tpu.memory_space<hbm>>
        %dma_start3A_143 = arith.constant 0 : i32
        %dma_start3A_144 = tpu.memref_slice %arg6[%dma_start3A_143] : memref<8192xf32, #tpu.memory_space<vmem>> -> memref<1152xf32, #tpu.memory_space<vmem>>
        %dma_start3A_145 = arith.constant 1998848 : i32
        %dma_start3A_146 = tpu.memref_slice %arg3[%dma_start3A_145] : memref<2000000xf32, #tpu.memory_space<hbm>> -> memref<1152xf32, #tpu.memory_space<hbm>>
        tpu.enqueue_dma source(%dma_start3A_146 : memref<1152xf32, #tpu.memory_space<hbm>>) target(%dma_start3A_144 : memref<1152xf32, #tpu.memory_space<vmem>>) target_semaphore(%run_scoped3A : memref<!tpu.dma_semaphore, #tpu.memory_space<semaphore_mem>>)
        %dma_wait3A_147 = arith.constant 0 : i32
        %dma_wait3A_148 = tpu.memref_slice %arg6[%dma_wait3A_147] : memref<8192xf32, #tpu.memory_space<vmem>> -> memref<1152xf32, #tpu.memory_space<vmem>>
        %dma_wait3A_149 = arith.constant 1998848 : i32
        %dma_wait3A_150 = tpu.memref_slice %arg3[%dma_wait3A_149] : memref<2000000xf32, #tpu.memory_space<hbm>> -> memref<1152xf32, #tpu.memory_space<hbm>>
        %dma_wait3A_151 = arith.constant 0 : i32
        %dma_wait3A_152 = tpu.memref_slice %arg6[%dma_wait3A_151] : memref<8192xf32, #tpu.memory_space<vmem>> -> memref<1152xf32, #tpu.memory_space<vmem>>
        %dma_wait3A_153 = arith.constant 1998848 : i32
        %dma_wait3A_154 = tpu.memref_slice %arg3[%dma_wait3A_153] : memref<2000000xf32, #tpu.memory_space<hbm>> -> memref<1152xf32, #tpu.memory_space<hbm>>
        tpu.wait_dma2 semaphore(%run_scoped3A : memref<!tpu.dma_semaphore, #tpu.memory_space<semaphore_mem>>) src(%dma_wait3A_154 : memref<1152xf32, #tpu.memory_space<hbm>>) dst(%dma_wait3A_152 : memref<1152xf32, #tpu.memory_space<vmem>>)
        tpu.yield
      }) : () -> ()
      "tpu.region"() ({
        %run_scoped3A = tpu.sem_alloc : memref<!tpu.dma_semaphore, #tpu.memory_space<semaphore_mem>>
        %dma_start3A_139 = arith.constant 0 : i32
        %dma_start3A_140 = tpu.memref_slice %arg6[%dma_start3A_139] : memref<8192xf32, #tpu.memory_space<vmem>> -> memref<1152xf32, #tpu.memory_space<vmem>>
        %dma_start3A_141 = arith.constant 0 : i32
        %dma_start3A_142 = tpu.memref_slice %arg5[%dma_start3A_141] : memref<8192xi32, #tpu.memory_space<vmem>> -> memref<1152xi32, #tpu.memory_space<vmem>>
        %dma_start3A_143 = arith.constant 0 : i32
        %dma_start3A_144 = tpu.memref_slice %arg15[%dma_start3A_143] : memref<1048576xf32, #tpu.memory_space<vmem_shared>> -> memref<1048576xf32, #tpu.memory_space<vmem_shared>>
        tpu.enqueue_indirect_dma source(%dma_start3A_140 : memref<1152xf32, #tpu.memory_space<vmem>>) target(%dma_start3A_144 : memref<1048576xf32, #tpu.memory_space<vmem_shared>>) offsets(%dma_start3A_142 : memref<1152xi32, #tpu.memory_space<vmem>>) semaphore(%run_scoped3A : memref<!tpu.dma_semaphore, #tpu.memory_space<semaphore_mem>>) {add = true}
        %dma_wait3A_145 = arith.constant 0 : i32
        %dma_wait3A_146 = tpu.memref_slice %arg6[%dma_wait3A_145] : memref<8192xf32, #tpu.memory_space<vmem>> -> memref<1152xf32, #tpu.memory_space<vmem>>
        %dma_wait3A_147 = arith.constant 0 : i32
        %dma_wait3A_148 = tpu.memref_slice %arg5[%dma_wait3A_147] : memref<8192xi32, #tpu.memory_space<vmem>> -> memref<1152xi32, #tpu.memory_space<vmem>>
        %dma_wait3A_149 = arith.constant 0 : i32
        %dma_wait3A_150 = tpu.memref_slice %arg15[%dma_wait3A_149] : memref<1048576xf32, #tpu.memory_space<vmem_shared>> -> memref<1048576xf32, #tpu.memory_space<vmem_shared>>
        tpu.wait_indirect_dma semaphore(%run_scoped3A : memref<!tpu.dma_semaphore, #tpu.memory_space<semaphore_mem>>) src(%dma_wait3A_146 : memref<1152xf32, #tpu.memory_space<vmem>>) dst(%dma_wait3A_150 : memref<1048576xf32, #tpu.memory_space<vmem_shared>>)
        tpu.yield
      }) : () -> ()
    } else {
    }
    %barrier3A_134 = arith.constant 0 : index
    tpu.barrier barrier_id(%barrier3A_134)
    %mul3A_135 = arith.constant 65536 : i32
    %mul3A_136 = arith.muli %arg1, %mul3A_135 : i32
    %mul3A_137 = arith.constant 65536 : i32
    %mul3A_138 = arith.muli %arg1, %mul3A_137 : i32
    "tpu.region"() ({
      %run_scoped3A = tpu.sem_alloc : memref<!tpu.dma_semaphore, #tpu.memory_space<semaphore_mem>>
      %dma_start3A_139 = tpu.memref_slice %arg4[%arg0, %mul3A_138] : memref<2x1048576xf32, #tpu.memory_space<hbm>> -> memref<1x65536xf32, #tpu.memory_space<hbm>>
      %dma_start3A_140 = tpu.memref_squeeze %dma_start3A_139 : memref<1x65536xf32, #tpu.memory_space<hbm>> -> memref<65536xf32, #tpu.memory_space<hbm>>
      %dma_start3A_141 = tpu.memref_slice %arg15[%mul3A_136] : memref<1048576xf32, #tpu.memory_space<vmem_shared>> -> memref<65536xf32, #tpu.memory_space<vmem_shared>>
      tpu.enqueue_dma source(%dma_start3A_141 : memref<65536xf32, #tpu.memory_space<vmem_shared>>) target(%dma_start3A_140 : memref<65536xf32, #tpu.memory_space<hbm>>) target_semaphore(%run_scoped3A : memref<!tpu.dma_semaphore, #tpu.memory_space<semaphore_mem>>)
      %dma_wait3A_142 = tpu.memref_slice %arg4[%arg0, %mul3A_138] : memref<2x1048576xf32, #tpu.memory_space<hbm>> -> memref<1x65536xf32, #tpu.memory_space<hbm>>
      %dma_wait3A_143 = tpu.memref_squeeze %dma_wait3A_142 : memref<1x65536xf32, #tpu.memory_space<hbm>> -> memref<65536xf32, #tpu.memory_space<hbm>>
      %dma_wait3A_144 = tpu.memref_slice %arg15[%mul3A_136] : memref<1048576xf32, #tpu.memory_space<vmem_shared>> -> memref<65536xf32, #tpu.memory_space<vmem_shared>>
      tpu.wait_dma2 semaphore(%run_scoped3A : memref<!tpu.dma_semaphore, #tpu.memory_space<semaphore_mem>>) src(%dma_wait3A_144 : memref<65536xf32, #tpu.memory_space<vmem_shared>>) dst(%dma_wait3A_143 : memref<65536xf32, #tpu.memory_space<hbm>>)
      tpu.yield
    }) : () -> ()
    return
  }
}

module attributes {stable_mosaic.version = 14 : i64} {
  func.func @_combine_body(%arg0: memref<2x1024x1024xf32, #tpu.memory_space<vmem>>, %arg1: memref<1024x1024xf32, #tpu.memory_space<vmem>>) attributes {dimension_semantics = [], scalar_prefetch = 0 : i64, scratch_operands = 0 : i64, tpu.core_type = #tpu.core_type<tc>} {
    %get3A = arith.constant 0 : index
    %get3A_0 = arith.constant 0 : index
    %get3A_1 = arith.constant 0 : index
    %get3A_2 = vector.load %arg0[%get3A, %get3A_0, %get3A_1] : memref<2x1024x1024xf32, #tpu.memory_space<vmem>>, vector<1x1024x1024xf32>
    %get3A_3 = vector.shape_cast %get3A_2 : vector<1x1024x1024xf32> to vector<1024x1024xf32>
    %get3A_4 = arith.constant 1 : index
    %get3A_5 = arith.constant 0 : index
    %get3A_6 = arith.constant 0 : index
    %get3A_7 = vector.load %arg0[%get3A_4, %get3A_5, %get3A_6] : memref<2x1024x1024xf32, #tpu.memory_space<vmem>>, vector<1x1024x1024xf32>
    %get3A_8 = vector.shape_cast %get3A_7 : vector<1x1024x1024xf32> to vector<1024x1024xf32>
    %add3A = arith.addf %get3A_3, %get3A_8 : vector<1024x1024xf32>
    %swap3A = arith.constant 0 : index
    %swap3A_9 = arith.constant 0 : index
    %swap3A_10 = vector.load %arg1[%swap3A, %swap3A_9] : memref<1024x1024xf32, #tpu.memory_space<vmem>>, vector<1024x1024xf32>
    tpu.vector_store %arg1[%swap3A, %swap3A_9], %add3A {strides = array<i32>} : memref<1024x1024xf32, #tpu.memory_space<vmem>>, vector<1024x1024xf32>,
    return
  }
}

module attributes {stable_mosaic.version = 14 : i64} {
  func.func @_mask_body(%arg0: memref<1x1xf32, #tpu.memory_space<vmem>>, %arg1: memref<15625x128xf32, #tpu.memory_space<vmem>>, %arg2: memref<15625x128xf32, #tpu.memory_space<vmem>>, %arg3: memref<15625x128xf32, #tpu.memory_space<vmem>>, %arg4: memref<15625x128xf32, #tpu.memory_space<vmem>>) attributes {dimension_semantics = [], scalar_prefetch = 0 : i64, scratch_operands = 0 : i64, tpu.core_type = #tpu.core_type<tc>} {
    %get3A = arith.constant 0 : index
    %get3A_0 = arith.constant 0 : index
    %get3A_1 = vector.load %arg0[%get3A, %get3A_0] : memref<1x1xf32, #tpu.memory_space<vmem>>, vector<1x1xf32>
    %get3A_2 = vector.extract %get3A_1[0, 0] : f32 from vector<1x1xf32>
    %get3A_3 = arith.constant 0 : index
    %get3A_4 = arith.constant 0 : index
    %get3A_5 = vector.load %arg2[%get3A_3, %get3A_4] : memref<15625x128xf32, #tpu.memory_space<vmem>>, vector<15625x128xf32>
    %le3A = vector.broadcast %get3A_2 : f32 to vector<15625x128xf32>
    %le3A_6 = arith.cmpf ole, %get3A_5, %le3A : vector<15625x128xf32>
    %get3A_7 = arith.constant 0 : index
    %get3A_8 = arith.constant 0 : index
    %get3A_9 = vector.load %arg3[%get3A_7, %get3A_8] : memref<15625x128xf32, #tpu.memory_space<vmem>>, vector<15625x128xf32>
    %lt3A = vector.broadcast %get3A_2 : f32 to vector<15625x128xf32>
    %lt3A_10 = arith.cmpf olt, %lt3A, %get3A_9 : vector<15625x128xf32>
    %and3A = arith.andi %le3A_6, %lt3A_10 : vector<15625x128xi1>
    %get3A_11 = arith.constant 0 : index
    %get3A_12 = arith.constant 0 : index
    %get3A_13 = vector.load %arg1[%get3A_11, %get3A_12] : memref<15625x128xf32, #tpu.memory_space<vmem>>, vector<15625x128xf32>
    %jit3A = arith.constant 0.000000e+00 : f32
    %broadcast_in_dim3A = vector.broadcast %jit3A : f32 to vector<15625x128xf32>
    %select_n3A = arith.select %and3A, %get3A_13, %broadcast_in_dim3A : vector<15625x128xi1>, vector<15625x128xf32>
    %swap3A = arith.constant 0 : index
    %swap3A_14 = arith.constant 0 : index
    %swap3A_15 = vector.load %arg4[%swap3A, %swap3A_14] : memref<15625x128xf32, #tpu.memory_space<vmem>>, vector<15625x128xf32>
    tpu.vector_store %arg4[%swap3A, %swap3A_14], %select_n3A {strides = array<i32>} : memref<15625x128xf32, #tpu.memory_space<vmem>>, vector<15625x128xf32>,
    return
  }
}

</mosaic_0001>

<sc_bundles>
// kernel: kernel.5.cloned.1.call-start
scs
__scs_entry_jumppad:
0x0: {  	(pc) =	sbr.rel $0x88, $3  }
0x1: {  	(tag) =	ssettag $0x0;
	lr =	simm.s32 $0x1  }
0x2: {  	[smem:$0x3F9C] =	sst lr;
	_ =	strace $0xD0000000  }
0x3: {  	_ = 	snop  }
0x4: {  	_ = 	snop  }
0x5: {  	_ = 	snop  }
0x6: {  	_ = 	snop  }
0x7: {  	_ = 	snop  }
__scs_overlays_trampoline_lowered:
0x8: {  	[smem:$0x3FAB] =	sst s0  }
0x9: {  	[smem:$0x3FAC] =	sst s1  }
0xa: {  	[smem:$0x3FAD] =	sst s2  }
0xb: {  	[smem:$0x3FAE] =	sst s3  }
0xc: {  	[smem:$0x3FAF] =	sst s4  }
0xd: {  	[smem:$0x3FB0] =	sst s5  }
0xe: {  	[smem:$0x3FB1] =	sst s6  }
0xf: {  	[smem:$0x3FB2] =	sst s7  }
0x10: {  	[smem:$0x3FB3] =	sst s8  }
0x11: {  	[smem:$0x3FB4] =	sst s9;
	s0 =	simm.s32 @!p0 $0x0  }
0x12: {  	s1 =	sld [smem:$0x3F9A];
	s0 =	simm.s32 @p0 $0x1  }
0x13: {  	[smem:$0x3FB5] =	sst s0;
	s0 =	simm.s32 @!p1 $0x0  }
0x14: {  	s2 =	sld [smem:$0x3F99];
	s0 =	simm.s32 @p1 $0x1  }
0x15: {  	[smem:$0x3FB6] =	sst s0;
	s0 =	simm.s32 @!p2 $0x0  }
0x16: {  	s3 =	sld [smem:$0x3FDB];
	s0 =	simm.s32 @p2 $0x1  }
0x17: {  	s4 =	simm.s32 $0x1BF5;
	[smem:$0x3FB8] =	sst s0  }
0x18: {  	s0 =	sld [smem:$0x3F9B];
	_ =	swait.ge [sflag:s4], $0x0  }
0x19: {  	s7 =	sld [smem:$0x3F9C]  }
0x1a: {  	s8 =	sadd.s32 $0xFFFFE003, lr  }
0x1b: {  	s9 =	sadd.s32 $0xFFFFFEF7, lr;
	s5 =	simm.s32 $0xFFFFFFFF;
	p2 =	slt.u32 s8, $0xFFFFF086  }
0x1c: {  	p1 =	slt.u32 s9, $0xF7A;
	s5 =	simm.s32 @!p2 $0x0  }
0x1d: {  	s5 =	simm.s32 @p1 $0x1;
	p0 =	seq.s32 s7, s2  }
0x1e: {  	s7 =	smul.u32 @!p0 $0xF7A, s2;
	p2 =	seq.s32 @!p0 s5, $0x0  }
0x1f: {  	s9 =	smul.u32 $0xF7A, s1;
	s8 =	simm.s32 @!p0 $0x1BF5;
	p2 =	por !p2, p0  }
0x20: {  	[sflag:s8] =	ssyncset.s32 @!p0 $0xFFFFF086;
	s6 =	sadd.s32 @!p0 s3, s7;
	s7 =	simm.s32 @!p0 $0x108  }
0x21: {  	s3 =	sadd.s32 s3, s9;
	s6 =	sadd.s32 @!p0 $0x88, s6;
	s7 =	simm.s32 @p2 $0x1082  }
0x22: {  	[simem:s7], [sflag:s8] =	dma.local @!p0 [hbm:s6], $0xF7A  }
0x23: {  	s9 =	sor.u32 $0xD0000000, s2;
	s6 =	simm.s32 $0x108;
	_ =	swait.ge @!p0 [sflag:s8], $0x0  }
0x24: {  	s3 =	sadd.s32 $0x88, s3;
	s6 =	simm.s32 @!p1 $0x1082;
	[sflag:s4] =	ssyncset.s32 $0xFFFFF086  }
0x25: {  	[simem:s6], [sflag:s4] =	dma.local [hbm:s3], $0xF7A  }
0x26: {  	[smem:$0x3F9C] =	sst s1;
	(tag) =	ssettag s2;
	_ =	strace s9  }
0x27: {  	s1 =	sld [smem:$0x3FAC]  }
0x28: {  	s2 =	sld [smem:$0x3FAD]  }
0x29: {  	s4 =	sld [smem:$0x3FAF]  }
0x2a: {  	p0 =	seq.s32 s5, $0x0;
	s5 =	sld [smem:$0x3FB0]  }
0x2b: {  	s6 =	sld [smem:$0x3FB1]  }
0x2c: {  	s7 =	sld [smem:$0x3FB2]  }
0x2d: {  	s3 =	simm.s32 $0x108;
	s8 =	sld [smem:$0x3FB3]  }
0x2e: {  	s3 =	simm.s32 @!p0 $0x1082;
	s9 =	sld [smem:$0x3FB4]  }
0x2f: {  	lr =	sadd.s32 s0, s3;
	s0 =	sld [smem:$0x3FAB]  }
0x30: {  	s3 =	sld [smem:$0x3FAE]  }
0x31: {  	[smem:$0x3FB7] =	sst s10  }
0x32: {  	s10 =	sld [smem:$0x3FB5];
	_ =	sdelay $0x3  }
0x33: {  	p0 =	seq.s32 s10, $0x1;
	s10 =	sld [smem:$0x3FB7];
	_ =	sdelay $0x3  }
0x34: {  	[smem:$0x3FB7] =	sst s10  }
0x35: {  	s10 =	sld [smem:$0x3FB6];
	_ =	sdelay $0x3  }
0x36: {  	p1 =	seq.s32 s10, $0x1;
	s10 =	sld [smem:$0x3FB7];
	_ =	sdelay $0x3  }
0x37: {  	[smem:$0x3FB7] =	sst s10  }
0x38: {  	s10 =	sld [smem:$0x3FB8]  }
0x39: {  	_ = 	snop;
	(pc) =	sbr.ind lr, $3  }
0x3a: {  	_ = 	snop  }
0x3b: {  	_ = 	snop  }
0x3c: {  	p2 =	seq.s32 s10, $0x1;
	s10 =	sld [smem:$0x3FB7]  }
0x3d: {  	_ =	shalt  }
0x3e: {  	_ =	shalt  }
0x3f: {  	_ =	shalt  }
0x40: {  	_ =	shalt  }
0x41: {  	_ =	shalt  }
0x42: {  	_ =	shalt  }
0x43: {  	_ =	shalt  }
0x44: {  	_ =	shalt  }
0x45: {  	_ =	shalt  }
0x46: {  	_ =	shalt  }
0x47: {  	_ =	shalt  }
0x48: {  	_ =	shalt  }
0x49: {  	_ =	shalt  }
0x4a: {  	_ =	shalt  }
0x4b: {  	_ =	shalt  }
0x4c: {  	_ =	shalt  }
0x4d: {  	_ =	shalt  }
0x4e: {  	_ =	shalt  }
0x4f: {  	_ =	shalt  }
0x50: {  	_ =	shalt  }
0x51: {  	_ =	shalt  }
0x52: {  	_ =	shalt  }
0x53: {  	_ =	shalt  }
0x54: {  	_ =	shalt  }
0x55: {  	_ =	shalt  }
0x56: {  	_ =	shalt  }
0x57: {  	_ =	shalt  }
0x58: {  	_ =	shalt  }
0x59: {  	_ =	shalt  }
0x5a: {  	_ =	shalt  }
0x5b: {  	_ =	shalt  }
0x5c: {  	_ =	shalt  }
0x5d: {  	_ =	shalt  }
0x5e: {  	_ =	shalt  }
0x5f: {  	_ =	shalt  }
0x60: {  	_ =	shalt  }
0x61: {  	_ =	shalt  }
0x62: {  	_ =	shalt  }
0x63: {  	_ =	shalt  }
0x64: {  	_ =	shalt  }
0x65: {  	_ =	shalt  }
0x66: {  	_ =	shalt  }
0x67: {  	_ =	shalt  }
0x68: {  	_ =	shalt  }
0x69: {  	_ =	shalt  }
0x6a: {  	_ =	shalt  }
0x6b: {  	_ =	shalt  }
0x6c: {  	_ =	shalt  }
0x6d: {  	_ =	shalt  }
0x6e: {  	_ =	shalt  }
0x6f: {  	_ =	shalt  }
0x70: {  	_ =	shalt  }
0x71: {  	_ =	shalt  }
0x72: {  	_ =	shalt  }
0x73: {  	_ =	shalt  }
0x74: {  	_ =	shalt  }
0x75: {  	_ =	shalt  }
0x76: {  	_ =	shalt  }
0x77: {  	_ =	shalt  }
0x78: {  	_ =	shalt  }
0x79: {  	_ =	shalt  }
0x7a: {  	_ =	shalt  }
0x7b: {  	_ =	shalt  }
0x7c: {  	_ =	shalt  }
0x7d: {  	_ =	shalt  }
0x7e: {  	_ =	shalt  }
0x7f: {  	_ =	shalt  }
0x80: {  	_ =	shalt  }
0x81: {  	_ =	shalt  }
0x82: {  	_ =	shalt  }
0x83: {  	_ =	shalt  }
0x84: {  	_ =	shalt  }
0x85: {  	_ =	shalt  }
0x86: {  	_ =	shalt  }
0x87: {  	_ =	shalt  }
.Lfunc_end0:
.L_simem_size_0:
called_computation_lowered:
.L_overlay_start_0:
0x88: {  	s2 =	sld [smem:$0x3FD9]  }
0x89: {  	s3 =	sld [smem:$0x3FFE];
	_ =	sdelay $0x1  }
0x8a: {  	s1 =	srdreg.scid  }
0x8b: {  	s0 =	sand.u32 $0x1, s1  }
0x8c: {  	s17 =	sshll.u32 s0, $0xA;
	s2 =	sadd.s32 s3, s2  }
0x8d: {  	s2 =	sadd.s32 s2, s17  }
0x8e: {  	[smem:$0x3FC3] =	sst s2  }
0x8f: {  	_ = 	snop  }
0x90: {  	s2 =	sld [smem:$0x3FC9];
	(tm) =	ssettm $0x1  }
0x91: {  	s18 =	sld [smem:$0x3FFB];
	_ =	sdelay $0x3  }
0x92: {  	_ =	strace s18  }
0x93: {  	s3 =	sld [smem:$0x3FFC];
	_ =	sdelay $0x3  }
0x94: {  	_ =	strace s3  }
0x95: {  	s3 =	sld [smem:$0x3FFD];
	_ =	sdelay $0x3  }
0x96: {  	_ =	strace s3  }
0x97: {  	_ =	strace $0x8FFFFFFF  }
0x98: {  	s19 =	sld [smem:$0x3FDB];
	_ =	sdelay $0x1  }
0x99: {  	s4 =	simm.s32 $_scs_section_size  }
0x9a: {  	s5 =	simm.s32 $_size__tile_overlayer_lowered;
	s6 =	simm.s32 $_tile_overlayer_lowered  }
0x9b: {  	s22 =	simm.s32 $0x1BFF;
	s21 =	sshll.u32 s6, $0x1;
	s3 =	sadd.s32 s4, s19  }
0x9c: {  	s7 =	simm.s32 $0x0;
	s20 =	sshll.u32 s5, $0x1;
	s5 =	sadd.s32 s21, s3  }
0x9d: {  	[timem:s7], [sflag:s22] =	dma.local [hbm:s5], s20  }
0x9e: {  	_ =	swait.ge [sflag:s22], s20  }
0x9f: {  	s4 =	ssub.s32 $0x0, s20;
	[sflag:s22] =	ssyncset.done $0x0  }
0xa0: {  	[sflag:s22] =	ssyncadd.s32 s4;
	_ =	sdelay $0x1  }
0xa1: {  	s23 =	simm.s32 $0x1B8B  }
0xa2: {  	_ =	swait.ge [sflag:s23], $0x1  }
0xa3: {  	[sflag:s23] =	ssyncset.done $0x0  }
0xa4: {  	s25 =	simm.s32 $0x1B8E;
	s24 =	sld [smem:$0x3FFE];
	[sflag:s23] =	ssyncadd.s32 $0xFFFFFFFF  }
0xa5: {  	s26 =	simm.s32 $execute0_lowered;
	[smem:$0x3FD2] =	sst s25  }
0xa6: {  	s5 =	sshll.u32 s26, $0x1;
	_ =	strace $0x80000046;
	[dreg:$0x1] =	wrdreg $0xFFFFFFFF  }
0xa7: {  	s28 =	simm.s32 $_size_execute0_lowered;
	s3 =	sadd.s32 s3, s5;
	[dreg:$0x0] =	wrdreg $0x0  }
0xa8: {  	s5 =	sshll.u32 s28, $0x1;
	[dreg:$0x2] =	wrdreg s3  }
0xa9: {  	[dreg:$0x3] =	wrdreg s5  }
0xaa: {  	[dreg:$0x4] =	wrdreg $0xC0  }
0xab: {  	_ =	task [dreg:s7], $0x5FFFF  }
0xac: {  	[dreg:$0x1] =	wrdreg $0xFFFFFFFF  }
0xad: {  	[dreg:$0x0] =	wrdreg $0x60  }
0xae: {  	[dreg:$0x2] =	wrdreg s2  }
0xaf: {  	[dreg:$0x3] =	wrdreg s24  }
0xb0: {  	[dreg:$0x4] =	wrdreg $0xA0000  }
0xb1: {  	[dreg:$0x5] =	wrdreg $0x9  }
0xb2: {  	_ =	task.clear_ibuf [dreg:s7], $0x6FFFF;
	_ =	strace $0x90000046  }
0xb3: {  	s29 =	simm.s32 $0x9;
	_ =	strace $0x80000048  }
0xb4: {  	_ =	swait.ge [sflag:s29], $0x1  }
0xb5: {  	[sflag:s29] =	ssyncadd.s32 $0xFFFFFFFF  }
0xb6: {  	_ =	strace $0x90000048  }
0xb7: {  	_ =	sfence  }
0xb8: {  	s30 =	sld [smem:$0x0];
	_ =	sdelay $0x2  }
0xb9: {  	s31 =	sshll.u32 s1, $0xD;
	s1 =	sshrl.u32 s1, $0x2  }
0xba: {  	s3 =	sand.u32 $0x4000, s31;
	s1 =	sadd.s32 s1, s30  }
0xbb: {  	s0 =	sor.u32 s3, s0;
	s1 =	sshll.u32 s1, $0x11  }
0xbc: {  	s0 =	sor.u32 s1, s0  }
0xbd: {  	s0 =	sadd.s32 $0x8F2B, s0  }
0xbe: {  	[sflag:s0] =	ssyncadd.remote.s32 $0x1  }
0xbf: {  	_ =	sfence.sel $0xFFFF  }
0xc0: {  	[dreg:$0x0] =	wrdreg $0xFFFFFFFF;
	(pc) =	sbr.abs _section_cstart, $3  }
0xc1: {  	[dreg:$0x1] =	wrdreg $0xFFFFFFFF  }
0xc2: {  	_ =	task.clear_ibuf [dreg:s7], $0x2FFFF;
	_ =	strace $0x9FFFFFFF  }
0xc3: {  	(tm) =	ssettm $0x7FFFFFFF  }
tec
execute0_lowered:
.L_overlay_start_1:
0x0: {  	(tag) =	ssettag $0x1  }
0x1: {  	s0 =	rddreg [dreg:$0x0]  }
0x2: {  	s2 =	rddreg [dreg:$0x1]  }
0x3: {  	s1 =	rddreg [dreg:$0x2];
	s3 =	simm.s32 $0x0;
	s24 =	srdreg.scid  }
0x4: {  	s11 =	stileid.u32;
	s28 =	simm.s32 $0x8000;
	s29 =	simm.s32 $0x5  }
0x5: {  	s30 =	simm.s32 $0x1;
	s31 =	simm.s32 $0x4000;
	[smem:$0x7FF] =	sst s3  }
0x6: {  	s3 =	sand.u32 $0x1, s24;
	s4 =	sadd.s32 $0x800, s2;
	s6 =	sshll.u32 s11, $0x1  }
0x7: {  	s10 =	sshll.u32 s11, $0x10;
	s21 =	sshll.u32 s11, $0xE;
	s11 =	sshll.u32 s11, $0xB  }
0x8: {  	_ =	strace $0x80000047;
	s5 =	sshll.u32 s3, $0x4;
	s6 =	sor.u32 s3, s6  }
0x9: {  	s25 =	ssub.s32 $0x2, s3;
	s22 =	sadd.s32 s11, s4;
	s9 =	sshll.u32 s6, $0xA  }
0xa: {  	s3 =	sshll.u32 s3, $0xA;
	s7 =	sadd.s32 s5, s2;
	s26 =	sadd.s32 s0, s9  }
0xb: {  	s5 =	sadd.s32 s10, s1;
	s12 =	sadd.s32 s4, s9;
	[dreg:$0x4] =	wrdreg s26  }
0xc: {  	s23 =	sadd.s32 s11, s0;
	s13 =	sadd.s32 $0x2000, s5;
	[dreg:$0x5] =	wrdreg s12  }
0xd: {  	s8 =	sshrl.u32 s25, $0x1;
	s14 =	sadd.s32 $0x4000, s5;
	[dreg:$0x6] =	wrdreg s13  }
0xe: {  	s20 =	ssub.s32 $0xF3, s6;
	s15 =	sadd.s32 $0x6000, s5;
	[dreg:$0x7] =	wrdreg s14  }
0xf: {  	p0 =	sne.s32 s6, $0x10;
	s16 =	sadd.s32 $0x8000, s5;
	[dreg:$0x8] =	wrdreg s15  }
0x10: {  	s6 =	simm.s32 $0x0;
	s17 =	sadd.s32 $0xA000, s5;
	[dreg:$0x9] =	wrdreg s16  }
0x11: {  	s8 =	ssub.s32 s25, s8;
	s18 =	sadd.s32 $0xC000, s5;
	[dreg:$0xa] =	wrdreg s17  }
0x12: {  	s19 =	sadd.s32 $0xE000, s5;
	s7 =	sadd.s32 s21, s7;
	[dreg:$0xb] =	wrdreg s18  }
0x13: {  	s24 =	sor.u32 $0x8000, s9;
	[dreg:$0xc] =	wrdreg s19;
	s14 =	sshrl.u32 s20, $0x5  }
0x14: {  	s16 =	sadd.s32 s3, s22;
	s17 =	sadd.s32 s3, s23;
	s25 =	sadd.s32 s0, s24  }
0x15: {  	s3 =	sadd.s32 s4, s24;
	s26 =	sor.u32 $0x10000, s9;
	s22 =	sadd.s32 $0x3D000, s0  }
0x16: {  	s23 =	sadd.s32 $0x3D800, s2;
	s24 =	sadd.s32 $0x3DA00, s7;
	[dreg:$0xd] =	wrdreg s25  }
0x17: {  	s2 =	simm.s32 $0x3;
	s15 =	sadd.s32 $0x1, s14;
	[dreg:$0xe] =	wrdreg s3  }
0x18: {  	s4 =	sadd.s32 s4, s26;
	s3 =	sadd.s32 s0, s26;
	s25 =	smax.u32 s8, $0x1  }
0x19: {  	s26 =	simm.s32 $0x2000;
	s0 =	simm.s32 $0x6000;
	[dreg:$0xf] =	wrdreg s4  }
0x1a: {  	v0 =	vimm.f32 $0.0e+00;
	[dreg:$0x10] =	wrdreg s3;
	s3 =	simm.s32 $0x2;
	s4 =	simm.s32 $0x6  }
.LBB2_1:
0x1b: {  	s7 =	simm.s32 $0x0;
	s8 =	rddreg [dreg:$0x4]  }
0x1c: {  	[tilespmem:s7], [sflag:$0x1] =	stream.linear.gather [hbm4b:s8+s7], $0x2000, $0x38;
	[tilespmem:$0x1A000] =	vst v63  }
0x1d: {  	s21 =	rddreg [dreg:$0x5]  }
0x1e: {  	[tilespmem:s26], [sflag:$0x1] =	stream.linear.gather [hbm4b:s21+s7], $0x2000, $0x38;
	[tilespmem:$0x1A000] =	vst v63  }
0x1f: {  	s8 =	simm.s32 $0x0;
	s7 =	simm.s32 $0x40  }
.LBB2_2:
0x20: {  	p1 =	sne.s32 s7, $0x7FC0;
	[tilespmem:s8+$0x8000] =	vst v0;
	s8 =	smov.u32 s7;
	s7 =	sadd.s32 $0x40, s7  }
.Ltmp0:
0x21: {  	(pc) =	sbr.rel @p1 .LBB2_2-.Ltmp0, $2  }
0x22: {  	_ =	sdelay $0x2  }
0x23: {  	s8 =	sshra.s32 s8, $0x2  }
0x24: {  	[tilespmem:s8+$0x8000] =	vst v0  }
0x25: {  	[spmem:s5] =	stream.linear.scatter [tilespmem:s28], [sflag:$0x5], $0x2000, $0x38;
	[tilespmem:$0x1A000] =	vst v63  }
0x26: {  	s7 =	rddreg [dreg:$0x6]  }
0x27: {  	[spmem:s7] =	stream.linear.scatter [tilespmem:s28], [sflag:$0x5], $0x2000, $0x38;
	[tilespmem:$0x1A000] =	vst v63  }
0x28: {  	s21 =	rddreg [dreg:$0x7]  }
0x29: {  	[spmem:s21] =	stream.linear.scatter [tilespmem:s28], [sflag:$0x5], $0x2000, $0x38;
	[tilespmem:$0x1A000] =	vst v63  }
0x2a: {  	s8 =	rddreg [dreg:$0x8]  }
0x2b: {  	[spmem:s8] =	stream.linear.scatter [tilespmem:s28], [sflag:$0x5], $0x2000, $0x38;
	[tilespmem:$0x1A000] =	vst v63  }
0x2c: {  	s9 =	rddreg [dreg:$0x9]  }
0x2d: {  	[spmem:s9] =	stream.linear.scatter [tilespmem:s28], [sflag:$0x5], $0x2000, $0x38;
	[tilespmem:$0x1A000] =	vst v63  }
0x2e: {  	s10 =	rddreg [dreg:$0xa]  }
0x2f: {  	[spmem:s10] =	stream.linear.scatter [tilespmem:s28], [sflag:$0x5], $0x2000, $0x38;
	[tilespmem:$0x1A000] =	vst v63  }
0x30: {  	s11 =	rddreg [dreg:$0xb]  }
0x31: {  	[spmem:s11] =	stream.linear.scatter [tilespmem:s28], [sflag:$0x5], $0x2000, $0x38;
	[tilespmem:$0x1A000] =	vst v63  }
0x32: {  	s12 =	rddreg [dreg:$0xc]  }
0x33: {  	[spmem:s12] =	stream.linear.scatter [tilespmem:s28], [sflag:$0x5], $0x2000, $0x38;
	[tilespmem:$0x1A000] =	vst v63  }
0x34: {  	_ =	swait.ge [sflag:s29], $0x2000  }
0x35: {  	[sflag:s29] =	ssyncset.done $0x0  }
0x36: {  	[sflag:s29] =	ssyncadd.s32 $0xFFFFE000  }
0x37: {  	_ =	swait.ge [sflag:s29], $0x2000  }
0x38: {  	[sflag:s29] =	ssyncset.done $0x0  }
0x39: {  	[sflag:s29] =	ssyncadd.s32 $0xFFFFE000  }
0x3a: {  	_ =	swait.ge [sflag:s29], $0x2000  }
0x3b: {  	[sflag:s29] =	ssyncset.done $0x0  }
0x3c: {  	[sflag:s29] =	ssyncadd.s32 $0xFFFFE000  }
0x3d: {  	_ =	swait.ge [sflag:s29], $0x2000  }
0x3e: {  	[sflag:s29] =	ssyncset.done $0x0  }
0x3f: {  	[sflag:s29] =	ssyncadd.s32 $0xFFFFE000  }
0x40: {  	_ =	swait.ge [sflag:s29], $0x2000  }
0x41: {  	[sflag:s29] =	ssyncset.done $0x0  }
0x42: {  	[sflag:s29] =	ssyncadd.s32 $0xFFFFE000  }
0x43: {  	_ =	swait.ge [sflag:s29], $0x2000  }
0x44: {  	[sflag:s29] =	ssyncset.done $0x0  }
0x45: {  	[sflag:s29] =	ssyncadd.s32 $0xFFFFE000  }
0x46: {  	_ =	swait.ge [sflag:s29], $0x2000  }
0x47: {  	[sflag:s29] =	ssyncset.done $0x0  }
0x48: {  	[sflag:s29] =	ssyncadd.s32 $0xFFFFE000  }
0x49: {  	_ =	swait.ge [sflag:s29], $0x2000  }
0x4a: {  	[sflag:s29] =	ssyncset.done $0x0  }
0x4b: {  	[sflag:s29] =	ssyncadd.s32 $0xFFFFE000  }
0x4c: {  	[bflag:$0x0] =	sbarrier.arrive $0xFFFF  }
0x4d: {  	_ =	swait.ge [sflag:s30], $0x2000  }
0x4e: {  	[sflag:s30] =	ssyncset.done $0x0  }
0x4f: {  	[sflag:s30] =	ssyncadd.s32 $0xFFFFE000  }
0x50: {  	_ =	swait.ge [sflag:s30], $0x2000  }
0x51: {  	[sflag:s30] =	ssyncset.done $0x0  }
0x52: {  	s13 =	simm.s32 $0x0;
	[sflag:s30] =	ssyncadd.s32 $0xFFFFE000  }
0x53: {  	[spmem:s1] =	stream.indirect.scatter.add.f32 [tilespmem:s26], [sflag:$0x3], $0x1, s13, s26, $0xb8;
	[tilespmem:$0x1A000] =	vst v63  }
0x54: {  	s18 =	rddreg [dreg:$0xd]  }
0x55: {  	[tilespmem:s31], [sflag:$0x2] =	stream.linear.gather [hbm4b:s18+s13], $0x2000, $0x38;
	[tilespmem:$0x1A000] =	vst v63  }
0x56: {  	s19 =	rddreg [dreg:$0xe]  }
0x57: {  	[tilespmem:s0], [sflag:$0x2] =	stream.linear.gather [hbm4b:s19+s13], $0x2000, $0x38;
	[tilespmem:$0x1A000] =	vst v63  }
0x58: {  	_ =	swait.ge [sflag:s3], $0x2000  }
0x59: {  	[sflag:s3] =	ssyncset.done $0x0  }
0x5a: {  	[sflag:s3] =	ssyncadd.s32 $0xFFFFE000  }
0x5b: {  	_ =	swait.ge [sflag:s3], $0x2000  }
0x5c: {  	[sflag:s3] =	ssyncset.done $0x0  }
0x5d: {  	[sflag:s3] =	ssyncadd.s32 $0xFFFFE000  }
0x5e: {  	[spmem:s1] =	stream.indirect.scatter.add.f32 [tilespmem:s0], [sflag:$0x4], $0x1, s31, s26, $0xb8;
	[tilespmem:$0x1A000] =	vst v63  }
0x5f: {  	_ =	swait.ge [sflag:s2], $0x2000  }
0x60: {  	[sflag:s2] =	ssyncset.done $0x0  }
0x61: {  	p1 =	slt.u32 s14, $0x2;
	s20 =	rddreg [dreg:$0x10];
	[sflag:s2] =	ssyncadd.s32 $0xFFFFE000  }
0x62: {  	[tilespmem:s13], [sflag:$0x1] =	stream.linear.gather [hbm4b:s20+s13], $0x2000, $0x38;
	[tilespmem:$0x1A000] =	vst v63  }
0x63: {  	s7 =	simm.s32 @!p1 $0x1;
	s21 =	rddreg [dreg:$0xf]  }
0x64: {  	[tilespmem:s26], [sflag:$0x1] =	stream.linear.gather [hbm4b:s21+s13], $0x2000, $0x38;
	[tilespmem:$0x1A000] =	vst v63  }
0x65: {  	_ =	swait.ge @!p1 [sflag:s7], $0x2000  }
0x66: {  	[sflag:s7] =	ssyncset.done @!p1 $0x0  }
0x67: {  	[sflag:s7] =	ssyncadd.s32 @!p1 $0xFFFFE000  }
0x68: {  	p3 =	slt.u32 s15, $0x2;
	_ =	swait.ge @!p1 [sflag:s7], $0x2000  }
0x69: {  	p2 =	sle.u32 s14, $0x2;
	s8 =	simm.s32 @!p1 $0x2000;
	[sflag:s7] =	ssyncset.done @!p1 $0x0  }
0x6a: {  	s9 =	simm.s32 @!p1 $0x0;
	s10 =	simm.s32 @!p3 $0x4;
	[sflag:s7] =	ssyncadd.s32 @!p1 $0xFFFFE000  }
0x6b: {  	[spmem:s1] =	stream.indirect.scatter.add.f32 @!p1 [tilespmem:s8], [sflag:$0x3], $0x1, s9, s8, $0xb8;
	[tilespmem:$0x1A000] =	vst v63  }
0x6c: {  	s12 =	simm.s32 @!p2 $0x4000;
	_ =	swait.ge @!p3 [sflag:s10], $0x2000  }
0x6d: {  	s7 =	sadd.s32 @!p2 $0x0, s17;
	s8 =	sadd.s32 @!p2 $0x0, s16;
	[sflag:s10] =	ssyncset.done @!p3 $0x0  }
0x6e: {  	s7 =	sadd.s32 @!p2 $0x18000, s7;
	s9 =	simm.s32 @!p2 $0x0;
	[sflag:s10] =	ssyncadd.s32 @!p3 $0xFFFFE000  }
0x6f: {  	[tilespmem:s12], [sflag:$0x2] =	stream.linear.gather @!p2 [hbm4b:s7+s9], $0x2000, $0x38;
	[tilespmem:$0x1A000] =	vst v63  }
0x70: {  	s11 =	simm.s32 @!p2 $0x6000;
	s10 =	simm.s32 @!p2 $0x2;
	s7 =	sadd.s32 @!p2 $0x18000, s8  }
0x71: {  	[tilespmem:s11], [sflag:$0x2] =	stream.linear.gather @!p2 [hbm4b:s7+s9], $0x2000, $0x38;
	[tilespmem:$0x1A000] =	vst v63  }
0x72: {  	p4 =	slt.u32 s14, $0x4;
	_ =	swait.ge @!p2 [sflag:s10], $0x2000  }
0x73: {  	s18 =	simm.s32 @!p4 $0x2000;
	[sflag:s10] =	ssyncset.done @!p2 $0x0  }
0x74: {  	s19 =	simm.s32 @!p2 $0x2000;
	s20 =	sadd.s32 @!p4 $0x0, s17;
	[sflag:s10] =	ssyncadd.s32 @!p2 $0xFFFFE000  }
0x75: {  	s20 =	sadd.s32 @!p4 $0x20000, s20;
	s13 =	simm.s32 @!p1 $0x3;
	_ =	swait.ge @!p2 [sflag:s10], $0x2000  }
0x76: {  	s21 =	sadd.s32 @!p4 $0x0, s16;
	s8 =	simm.s32 $0x6;
	[sflag:s10] =	ssyncset.done @!p2 $0x0  }
0x77: {  	s7 =	simm.s32 $0x10000;
	s9 =	simm.s32 $0x20000;
	[sflag:s10] =	ssyncadd.s32 @!p2 $0xFFFFE000  }
.LBB2_4:
0x78: {  	[spmem:s1] =	stream.indirect.scatter.add.f32 @!p2 [tilespmem:s11], [sflag:$0x4], $0x1, s12, s19, $0xb8;
	[tilespmem:$0x1A000] =	vst v63  }
0x79: {  	s10 =	smov.u32 s7;
	s7 =	smov.u32 s9  }
0x7a: {  	s11 =	simm.s32 @!p4 $0x0;
	s12 =	sadd.s32 @!p4 $0x20000, s21;
	_ =	swait.ge @!p1 [sflag:s13], $0x2000  }
0x7b: {  	s9 =	sadd.s32 $0x10000, s9;
	s19 =	sadd.s32 $0xFFFFFFFE, s8;
	[sflag:s13] =	ssyncset.done @!p1 $0x0  }
0x7c: {  	p3 =	sne.s32 s9, $0x40000;
	[sflag:s13] =	ssyncadd.s32 @!p1 $0xFFFFE000  }
0x7d: {  	[tilespmem:s11], [sflag:$0x1] =	stream.linear.gather @!p4 [hbm4b:s20+s11], $0x2000, $0x38;
	[tilespmem:$0x1A000] =	vst v63  }
0x7e: {  	p1 =	sgt.u32 s19, s14  }
0x7f: {  	[tilespmem:s18], [sflag:$0x1] =	stream.linear.gather @!p4 [hbm4b:s12+s11], $0x2000, $0x38;
	[tilespmem:$0x1A000] =	vst v63  }
0x80: {  	s11 =	simm.s32 @!p1 $0x1;
	s12 =	simm.s32 @!p1 $0x2000;
	p4 =	sgt.u32 s19, s15  }
0x81: {  	s13 =	simm.s32 @!p1 $0x0;
	s18 =	simm.s32 @!p4 $0x4;
	_ =	swait.ge @!p1 [sflag:s11], $0x2000  }
0x82: {  	[sflag:s11] =	ssyncset.done @!p1 $0x0  }
0x83: {  	[sflag:s11] =	ssyncadd.s32 @!p1 $0xFFFFE000  }
0x84: {  	_ =	swait.ge @!p1 [sflag:s11], $0x2000  }
0x85: {  	p2 =	sge.u32 s19, s14;
	[sflag:s11] =	ssyncset.done @!p1 $0x0  }
0x86: {  	s19 =	sadd.s32 @!p2 s10, s17;
	[sflag:s11] =	ssyncadd.s32 @!p1 $0xFFFFE000;
	s11 =	sadd.s32 @!p2 s10, s16  }
0x87: {  	[spmem:s1] =	stream.indirect.scatter.add.f32 @!p1 [tilespmem:s12], [sflag:$0x3], $0x1, s13, s12, $0xb8;
	[tilespmem:$0x1A000] =	vst v63  }
0x88: {  	s13 =	sadd.s32 @!p2 $0x18000, s11;
	s11 =	simm.s32 @!p2 $0x6000;
	_ =	swait.ge @!p4 [sflag:s18], $0x2000  }
0x89: {  	s20 =	simm.s32 @!p2 $0x0;
	s19 =	sadd.s32 @!p2 $0x18000, s19;
	[sflag:s18] =	ssyncset.done @!p4 $0x0  }
0x8a: {  	s12 =	simm.s32 @!p2 $0x4000;
	[sflag:s18] =	ssyncadd.s32 @!p4 $0xFFFFE000  }
0x8b: {  	[tilespmem:s12], [sflag:$0x2] =	stream.linear.gather @!p2 [hbm4b:s19+s20], $0x2000, $0x38;
	[tilespmem:$0x1A000] =	vst v63  }
0x8c: {  	s21 =	simm.s32 @!p2 $0x2  }
0x8d: {  	[tilespmem:s11], [sflag:$0x2] =	stream.linear.gather @!p2 [hbm4b:s13+s20], $0x2000, $0x38;
	[tilespmem:$0x1A000] =	vst v63  }
0x8e: {  	s13 =	simm.s32 @!p1 $0x3;
	_ =	swait.ge @!p2 [sflag:s21], $0x2000  }
.Ltmp1:
0x8f: {  	s19 =	simm.s32 @!p2 $0x2000;
	[sflag:s21] =	ssyncset.done @!p2 $0x0;
	(pc) =	sbr.rel @p3 .LBB2_4-.Ltmp1, $4  }
0x90: {  	[sflag:s21] =	ssyncadd.s32 @!p2 $0xFFFFE000  }
0x91: {  	p4 =	sgt.u32 s8, s14;
	s8 =	sadd.s32 $0x2, s8;
	_ =	swait.ge @!p2 [sflag:s21], $0x2000  }
0x92: {  	s18 =	simm.s32 @!p4 $0x2000;
	s20 =	sadd.s32 @!p4 s10, s17;
	[sflag:s21] =	ssyncset.done @!p2 $0x0  }
0x93: {  	s20 =	sadd.s32 @!p4 $0x20000, s20;
	[sflag:s21] =	ssyncadd.s32 @!p2 $0xFFFFE000;
	s21 =	sadd.s32 @!p4 s10, s16  }
0x94: {  	[spmem:s1] =	stream.indirect.scatter.add.f32 @!p2 [tilespmem:s11], [sflag:$0x4], $0x1, s12, s19, $0xb8;
	[tilespmem:$0x1A000] =	vst v63  }
0x95: {  	_ =	swait.ge @!p1 [sflag:s13], $0x2000  }
0x96: {  	[sflag:s13] =	ssyncset.done @!p1 $0x0  }
0x97: {  	s9 =	simm.s32 @!p4 $0x0;
	s10 =	sadd.s32 $0xFFFFFFFE, s8;
	[sflag:s13] =	ssyncadd.s32 @!p1 $0xFFFFE000  }
0x98: {  	[tilespmem:s9], [sflag:$0x1] =	stream.linear.gather @!p4 [hbm4b:s20+s9], $0x2000, $0x38;
	[tilespmem:$0x1A000] =	vst v63  }
0x99: {  	s11 =	sadd.s32 @!p4 $0x20000, s21;
	p1 =	sgt.u32 s10, s14  }
0x9a: {  	[tilespmem:s18], [sflag:$0x1] =	stream.linear.gather @!p4 [hbm4b:s11+s9], $0x2000, $0x38;
	[tilespmem:$0x1A000] =	vst v63  }
0x9b: {  	s9 =	simm.s32 @!p1 $0x1  }
0x9c: {  	_ =	swait.ge @!p1 [sflag:s9], $0x2000  }
0x9d: {  	[sflag:s9] =	ssyncset.done @!p1 $0x0  }
0x9e: {  	[sflag:s9] =	ssyncadd.s32 @!p1 $0xFFFFE000  }
0x9f: {  	p3 =	sgt.u32 s10, s15;
	_ =	swait.ge @!p1 [sflag:s9], $0x2000  }
0xa0: {  	p2 =	sge.u32 s10, s14;
	s13 =	simm.s32 @!p3 $0x4;
	[sflag:s9] =	ssyncset.done @!p1 $0x0  }
0xa1: {  	s12 =	simm.s32 @!p1 $0x0;
	s11 =	simm.s32 @!p1 $0x2000;
	[sflag:s9] =	ssyncadd.s32 @!p1 $0xFFFFE000  }
0xa2: {  	[spmem:s1] =	stream.indirect.scatter.add.f32 @!p1 [tilespmem:s11], [sflag:$0x3], $0x1, s12, s11, $0xb8;
	[tilespmem:$0x1A000] =	vst v63  }
0xa3: {  	s9 =	sadd.s32 @!p2 s7, s17;
	_ =	swait.ge @!p3 [sflag:s13], $0x2000  }
0xa4: {  	s10 =	sadd.s32 @!p2 s7, s16;
	s9 =	sadd.s32 @!p2 $0x18000, s9;
	[sflag:s13] =	ssyncset.done @!p3 $0x0  }
0xa5: {  	s11 =	simm.s32 @!p2 $0x0;
	s12 =	simm.s32 @!p2 $0x4000;
	[sflag:s13] =	ssyncadd.s32 @!p3 $0xFFFFE000  }
0xa6: {  	[tilespmem:s12], [sflag:$0x2] =	stream.linear.gather @!p2 [hbm4b:s9+s11], $0x2000, $0x38;
	[tilespmem:$0x1A000] =	vst v63  }
0xa7: {  	s13 =	simm.s32 @!p2 $0x2;
	s9 =	sadd.s32 @!p2 $0x18000, s10;
	s10 =	simm.s32 @!p2 $0x6000  }
0xa8: {  	[tilespmem:s10], [sflag:$0x2] =	stream.linear.gather @!p2 [hbm4b:s9+s11], $0x2000, $0x38;
	[tilespmem:$0x1A000] =	vst v63  }
0xa9: {  	_ =	swait.ge @!p2 [sflag:s13], $0x2000  }
0xaa: {  	[sflag:s13] =	ssyncset.done @!p2 $0x0  }
0xab: {  	[sflag:s13] =	ssyncadd.s32 @!p2 $0xFFFFE000  }
0xac: {  	_ =	swait.ge @!p2 [sflag:s13], $0x2000  }
0xad: {  	[sflag:s13] =	ssyncset.done @!p2 $0x0  }
0xae: {  	s9 =	simm.s32 @!p1 $0x3;
	s11 =	simm.s32 @!p2 $0x2000;
	[sflag:s13] =	ssyncadd.s32 @!p2 $0xFFFFE000  }
0xaf: {  	[spmem:s1] =	stream.indirect.scatter.add.f32 @!p2 [tilespmem:s10], [sflag:$0x4], $0x1, s12, s11, $0xb8;
	[tilespmem:$0x1A000] =	vst v63  }
0xb0: {  	p3 =	sgt.u32 s8, s14;
	_ =	swait.ge @!p1 [sflag:s9], $0x2000  }
0xb1: {  	s8 =	sadd.s32 @!p3 s7, s17;
	s7 =	sadd.s32 @!p3 s7, s16;
	[sflag:s9] =	ssyncset.done @!p1 $0x0  }
0xb2: {  	s8 =	sadd.s32 @!p3 $0x20000, s8;
	s10 =	simm.s32 @!p3 $0x0;
	[sflag:s9] =	ssyncadd.s32 @!p1 $0xFFFFE000  }
0xb3: {  	[tilespmem:s10], [sflag:$0x1] =	stream.linear.gather @!p3 [hbm4b:s8+s10], $0x2000, $0x38;
	[tilespmem:$0x1A000] =	vst v63  }
0xb4: {  	s7 =	sadd.s32 @!p3 $0x20000, s7;
	s8 =	simm.s32 @!p3 $0x2000  }
0xb5: {  	[tilespmem:s8], [sflag:$0x1] =	stream.linear.gather @!p3 [hbm4b:s7+s10], $0x2000, $0x38;
	[tilespmem:$0x1A000] =	vst v63  }
0xb6: {  	s7 =	simm.s32 @!p0 $0x0;
	s8 =	simm.s32 @!p0 $0x6  }
0xb7: {  	[tilespmem:s7], [sflag:$0x6] =	stream.linear.gather @!p0 [hbm4b:s22+s7], $0x480, $0x38;
	[tilespmem:$0x1A000] =	vst v63  }
0xb8: {  	_ =	swait.ge @!p0 [sflag:s8], $0x480  }
0xb9: {  	[sflag:s8] =	ssyncset.done @!p0 $0x0  }
0xba: {  	s9 =	simm.s32 @!p0 $0x2000;
	[sflag:s8] =	ssyncadd.s32 @!p0 $0xFFFFFB80  }
0xbb: {  	[tilespmem:s9], [sflag:$0x6] =	stream.linear.gather @!p0 [hbm4b:s23+s7], $0x480, $0x38;
	[tilespmem:$0x1A000] =	vst v63  }
0xbc: {  	_ =	swait.ge @!p0 [sflag:s8], $0x480  }
0xbd: {  	[sflag:s8] =	ssyncset.done @!p0 $0x0  }
0xbe: {  	s19 =	sshrl.u32 s5, $0x3;
	s10 =	simm.s32 @!p0 $0x480;
	[sflag:s8] =	ssyncadd.s32 @!p0 $0xFFFFFB80  }
0xbf: {  	[spmem:s1] =	stream.indirect.scatter.add.f32 @!p0 [tilespmem:s9], [sflag:$0x6], $0x1, s7, s10, $0xb8;
	[tilespmem:$0x1A000] =	vst v63  }
0xc0: {  	s21 =	simm.s32 $0x10;
	s6 =	sadd.s32 $0x1, s6;
	_ =	swait.ge @!p0 [sflag:s8], $0x480  }
0xc1: {  	s20 =	simm.s32 $0x20;
	s18 =	stileid.u32;
	[sflag:s8] =	ssyncset.done @!p0 $0x0  }
0xc2: {  	p1 =	sne.s32 s6, s25;
	s7 =	sshll.u32 s18, $0x6;
	[sflag:s8] =	ssyncadd.s32 @!p0 $0xFFFFFB80  }
.Ltmp2:
0xc3: {  	s7 =	sor.u32 $0x1C06, s7;
	[bflag:$0x0] =	sbarrier.arrive $0xFFFF;
	(pc) =	sbr.rel @p1 .LBB2_1-.Ltmp2, $4  }
0xc4: {  	[hbm:s24@s20], [sflag:s7] =	dma.strided [spmem:s19@s21], $0x2000, s30, $0x10   }
0xc5: {  	_ =	swait.ge [sflag:s4], $0x2000  }
0xc6: {  	[sflag:s4] =	ssyncset.done $0x0  }
0xc7: {  	[sflag:s4] =	ssyncadd.s32 $0xFFFFE000  }
0xc8: {  	_ =	sfence.sel $0x180000  }
0xc9: {  	[bflag:$0x0] =	sbarrier.arrive $0xFFFF  }
0xca: {  	_ =	strace $0x90000047  }
0xcb: {  	s0 =	stileid.u32;
	[bflag:$0x2] =	sbarrier.arrive $0xFFFF  }
0xcc: {  	p0 =	sne.s32 s0, $0x0;
	s0 =	rddreg [dreg:$0x3]  }
0xcd: {  	s0 =	sadd.s32 @!p0 $0x100000, s0  }
0xce: {  	[sflag:s0] =	ssyncadd.tile.s32 @!p0 $0x1;
	_ =	shalt  }
.Lfunc_end2:
_tile_overlayer_lowered:
.L_overlay_start_2:
0xcf: {  	(tag) =	ssettag $0x2  }
0xd0: {  	s0 =	rddreg [dreg:$0x0];
	s2 =	stileid.u32  }
0xd1: {  	s1 =	rddreg [dreg:$0x1];
	p0 =	sne.s32 s2, $0x0  }
0xd2: {  	s3 =	rddreg [dreg:$0x2];
	[bflag:$0x3] =	sbarrier.arrive $0xFFFF;
	s2 =	simm.s32 @!p0 $0x1C06  }
0xd3: {  	[timem:s3], [sflag:s2] =	dma.local @!p0 [hbm:s0], s1  }
0xd4: {  	s0 =	simm.s32 @!p0 $0x6  }
0xd5: {  	_ =	swait.ge @!p0 [sflag:s0], s1  }
0xd6: {  	s1 =	ssub.s32 @!p0 $0x0, s1;
	[sflag:s0] =	ssyncset.done @!p0 $0x0  }
0xd7: {  	[sflag:s0] =	ssyncadd.s32 @!p0 s1  }
0xd8: {  	[bflag:$0x3] =	sbarrier.arrive $0xFFFF  }
0xd9: {  	_ =	shalt  }

</sc_bundles>
